<compile_context>
chip_gen: v7x
topology: tpu7x:2x2x1
jax: 0.10.2.dev20260603
libtpu: 0.0.44.dev20260713+nightly
codegen_flags: <defaults>
</compile_context>

<pallas_src>
import jax
import jax.numpy as jnp
from jax import lax
from jax.experimental import pallas as pl
from jax.experimental.pallas import tpu as pltpu
from jax.experimental.pallas import tpu_sc as plsc

T = 16
B = 32
V = 50000
OOV = 50
VEXT = V + OOV
L = 512
PAD = 50176
Q = 49
QB = 7
CW = QB * 1024
BG = 8

NC = 2
NS = 16


def _dense_body(pred_ref, pg_ref, out_ref):
    c = pl.program_id(1)
    pg = pg_ref[:, :, 0:1]
    vals = pred_ref[...] * pg
    col = c * CW + lax.broadcasted_iota(jnp.int32, (T, BG, CW), 2)
    vals = jnp.where(col < V, vals, 0.0)
    x = vals.reshape(T, BG, QB, 8, 128)
    x = jnp.transpose(x, (1, 0, 2, 3, 4))
    out_ref[...] = x.reshape(BG * T, QB, 8, 128)


def _make_dense_call():
    return pl.pallas_call(
        _dense_body,
        grid=(B // BG, Q // QB),
        in_specs=[
            pl.BlockSpec((T, BG, CW), lambda b, c: (0, b, c)),
            pl.BlockSpec((T, BG, 128), lambda b, c: (0, b, 0)),
        ],
        out_specs=pl.BlockSpec((BG * T, QB, 8, 128), lambda b, c: (b, c, 0, 0)),
        out_shape=jax.ShapeDtypeStruct((B * T, Q, 8, 128), jnp.float32),
    )


def _attn_body(attn_ref, pg_ref, out_ref):
    vals = (1.0 - pg_ref[...])[:, :, None] * attn_ref[...]
    out_ref[...] = jnp.transpose(vals, (1, 0, 2))


def _make_attn_call():
    return pl.pallas_call(
        _attn_body,
        out_shape=jax.ShapeDtypeStruct((B, T, L), jnp.float32),
    )


def _totals_body(attn_ref, idx_ref, out_ref):
    b = pl.program_id(0)
    iv = idx_ref[b, :]
    m = (iv[:, None] == iv[None, :]).astype(jnp.float32)
    a = attn_ref[0]
    out_ref[0] = jnp.dot(
        a, m, preferred_element_type=jnp.float32,
        precision=lax.Precision.HIGHEST,
    )


def _make_totals_call():
    return pl.pallas_call(
        _totals_body,
        grid=(B,),
        in_specs=[
            pl.BlockSpec((1, T, L), lambda b: (b, 0, 0)),
            pl.BlockSpec((B, L), lambda b: (0, 0)),
        ],
        out_specs=pl.BlockSpec((1, T, L), lambda b: (b, 0, 0)),
        out_shape=jax.ShapeDtypeStruct((B, T, L), jnp.float32),
    )


def _sc_overlay_body(out_ref, tot_hbm, idx_hbm,
                     idx_v, gidx_v, vals_v, dense_v):
    cid = lax.axis_index("c")
    sid = lax.axis_index("s")
    b = cid * NS + sid

    pltpu.sync_copy(idx_hbm.at[b], idx_v)

    def t_body(t):
        base = (b * T + t) * PAD
        pltpu.sync_copy(tot_hbm.at[b, t], vals_v)
        for j in range(4):
            for k in range(8):
                o = k * 16
                gidx_v[j, pl.ds(o, 16)] = idx_v[j, pl.ds(o, 16)] + base
        for j in range(4):
            pltpu.sync_copy(out_ref.at[gidx_v.at[j]], dense_v.at[j])
        for j in range(4):
            for k in range(8):
                o = k * 16
                dense_v[j, pl.ds(o, 16)] = (
                    dense_v[j, pl.ds(o, 16)] + vals_v[j, pl.ds(o, 16)]
                )
        for j in range(4):
            pltpu.sync_copy(dense_v.at[j], out_ref.at[gidx_v.at[j]])

    pl.loop(0, T)(t_body)


def _make_sc_overlay():
    return pl.kernel(
        _sc_overlay_body,
        out_type=(),
        mesh=plsc.VectorSubcoreMesh(
            core_axis_name="c", subcore_axis_name="s",
            num_cores=NC, num_subcores=NS,
        ),
        scratch_types=[
            pltpu.VMEM((4, 128), jnp.int32),
            pltpu.VMEM((4, 128), jnp.int32),
            pltpu.VMEM((4, 128), jnp.float32),
            pltpu.VMEM((4, 128), jnp.float32),
        ],
    )


def _relayout_body(in_ref, out_ref):
    x = in_ref[...]
    out_ref[...] = x.reshape(BG, T, CW)


def _make_relayout_call():
    return pl.pallas_call(
        _relayout_body,
        grid=(B // BG, Q // QB),
        in_specs=[
            pl.BlockSpec((BG * T, QB, 8, 128), lambda b, c: (b, c, 0, 0)),
        ],
        out_specs=pl.BlockSpec((BG, T, CW), lambda b, c: (b, 0, c)),
        out_shape=jax.ShapeDtypeStruct((B, T, VEXT), jnp.float32),
    )


def kernel(predictions, attentions, p_gens, batch_oov_len, extended_enc_inp):
    del batch_oov_len
    pg2d = p_gens[:, :, 0]
    pgw = jnp.broadcast_to(pg2d[:, :, None], (T, B, 128))
    dense4 = _make_dense_call()(predictions, pgw)
    attn_dists = _make_attn_call()(attentions[:T], pg2d)
    totals = _make_totals_call()(attn_dists, extended_enc_inp)
    out_ref = jax.new_ref(dense4.reshape(B * T * PAD))
    _make_sc_overlay()(
        out_ref,
        totals.reshape(B, T, 4, 128),
        extended_enc_inp.reshape(B, 4, 128),
    )
    final = out_ref[...].reshape(B * T, Q, 8, 128)
    return _make_relayout_call()(final)

# --- scband reference (transcript-rebuilt; emitter-appended) ---
"""Pipeline reference for scband-pgn-39453569581088 (READ-ONLY COPY).

The authoritative reference and input builder live on the scoring server;
editing this copy changes nothing except your own understanding.
"""

import jax, jax.numpy as jnp
import numpy as np

VOCAB_SIZE = 50000
BATCH = 32
MAX_ENC_LEN = 512
MAX_DEC_LEN = 16
OOV_LEN = 50


def setup_inputs(seed: int = 0) -> dict:
    key = jax.random.key(seed)
    k1, k2, k3, k4 = jax.random.split(key, 4)
    predictions = jax.random.uniform(k1, (MAX_DEC_LEN, BATCH, VOCAB_SIZE), dtype=jnp.float32)
    attentions = jax.random.uniform(k2, (MAX_DEC_LEN + 1, BATCH, MAX_ENC_LEN), dtype=jnp.float32)
    p_gens = jax.random.uniform(k3, (MAX_DEC_LEN, BATCH, 1), dtype=jnp.float32)
    extended_enc_inp = jax.random.randint(k4, (BATCH, MAX_ENC_LEN), 0, VOCAB_SIZE + OOV_LEN, dtype=jnp.int32)
    batch_oov_len = OOV_LEN  # scalar int (reduce_max over per-example oov lens already applied)
    return {
        "predictions": predictions,
        "attentions": attentions,
        "p_gens": p_gens,
        "batch_oov_len": batch_oov_len,
        "extended_enc_inp": extended_enc_inp,
    }


def reference(predictions, attentions, p_gens, batch_oov_len, extended_enc_inp):
    # Faithful port of PGN.calc_final_dist (the scatter_memory core of the model).
    T, B, V = predictions.shape
    oov = OOV_LEN
    extended_size = V + oov
    # vocab_dists[t] = p_gen[t] * prediction[t]
    vocab_dists = p_gens * predictions  # [T, B, V]
    # attn_dists[t] = (1 - p_gen[t]) * attentions[t]  (drops last attention, matching attentions[:-1])
    attn_dists = (1.0 - p_gens) * attentions[:T]  # [T, B, L]
    # extend vocab dists with zeros for OOV slots
    extra_zeros = jnp.zeros((T, B, oov), dtype=predictions.dtype) * jnp.asarray(batch_oov_len).astype(predictions.dtype)
    vocab_dists_extended = jnp.concatenate([vocab_dists, extra_zeros], axis=2)  # [T, B, V+oov]
    # scatter-add attention mass into extended vocab (tf.scatter_nd sums duplicate indices)
    def scatter_row(attn_row, idx_row):
        return jnp.zeros((extended_size,), dtype=predictions.dtype).at[idx_row].add(attn_row)
    scatter_batch = jax.vmap(scatter_row, in_axes=(0, 0))
    attn_dists_projected = jax.vmap(scatter_batch, in_axes=(0, None))(attn_dists, extended_enc_inp)  # [T, B, V+oov]
    final_dists = vocab_dists_extended + attn_dists_projected  # [T, B, V+oov]
    # tf.stack(final_dists, axis=1) -> [B, T, V+oov]
    return jnp.transpose(final_dists, (1, 0, 2))

if __name__ == "__main__":
    import jax
    _d = setup_inputs()
    print(jax.jit(kernel)(*tuple(_d.values())))

</pallas_src>

<mosaic_0001>
#map = affine_map<(d0, d1) -> (0)>
#map1 = affine_map<(d0, d1) -> (0, 0, 0, 0)>
#map2 = affine_map<(d0, d1) -> (0, 0, 0)>
module attributes {stable_mosaic.version = 14 : i64} {
  func.func @new_body(%arg0: i32, %arg1: i32, %arg2: memref<25690112xf32, #tpu.memory_space<hbm>>, %arg3: memref<32x16x4x128xf32, #tpu.memory_space<hbm>>, %arg4: memref<32x4x128xi32, #tpu.memory_space<hbm>>, %arg5: memref<25690112xf32, #tpu.memory_space<hbm>>, %arg6: memref<4x128xi32, #tpu.memory_space<vmem>>, %arg7: memref<4x128xi32, #tpu.memory_space<vmem>>, %arg8: memref<4x128xf32, #tpu.memory_space<vmem>>, %arg9: memref<4x128xf32, #tpu.memory_space<vmem>>) attributes {dimension_semantics = [#tpu.dimension_semantics<core_parallel>, #tpu.dimension_semantics<subcore_parallel>], iteration_bounds = array<i64: 2, 16>, scalar_prefetch = 0 : i64, scratch_operands = 4 : i64, tpu.core_type = #tpu.core_type<sc_vector_subcore>, window_params = [{transform_indices = #map}, {transform_indices = #map1}, {transform_indices = #map2}, {transform_indices = #map}]} {
    %mul3A = arith.constant 16 : i32
    %mul3A_0 = arith.muli %arg0, %mul3A : i32
    %add3A = arith.addi %mul3A_0, %arg1 : i32
    "tpu.region"() ({
      %run_scoped3A = tpu.sem_alloc : memref<!tpu.dma_semaphore, #tpu.memory_space<semaphore_mem>>
      %dma_start3A = arith.constant 0 : i32
      %dma_start3A_5 = arith.constant 0 : i32
      %dma_start3A_6 = tpu.memref_slice %arg4[%add3A, %dma_start3A, %dma_start3A_5] : memref<32x4x128xi32, #tpu.memory_space<hbm>> -> memref<1x4x128xi32, #tpu.memory_space<hbm>>
      %dma_start3A_7 = tpu.memref_squeeze %dma_start3A_6 : memref<1x4x128xi32, #tpu.memory_space<hbm>> -> memref<4x128xi32, #tpu.memory_space<hbm>>
      %dma_start3A_8 = arith.constant 0 : i32
      %dma_start3A_9 = arith.constant 0 : i32
      %dma_start3A_10 = tpu.memref_slice %arg4[%add3A, %dma_start3A_8, %dma_start3A_9] : memref<32x4x128xi32, #tpu.memory_space<hbm>> -> memref<1x4x128xi32, #tpu.memory_space<hbm>>
      %dma_start3A_11 = tpu.memref_squeeze %dma_start3A_10 : memref<1x4x128xi32, #tpu.memory_space<hbm>> -> memref<4x128xi32, #tpu.memory_space<hbm>>
      tpu.enqueue_dma source(%dma_start3A_11 : memref<4x128xi32, #tpu.memory_space<hbm>>) target(%arg6 : memref<4x128xi32, #tpu.memory_space<vmem>>) target_semaphore(%run_scoped3A : memref<!tpu.dma_semaphore, #tpu.memory_space<semaphore_mem>>)
      %dma_wait3A = arith.constant 0 : i32
      %dma_wait3A_12 = arith.constant 0 : i32
      %dma_wait3A_13 = tpu.memref_slice %arg4[%add3A, %dma_wait3A, %dma_wait3A_12] : memref<32x4x128xi32, #tpu.memory_space<hbm>> -> memref<1x4x128xi32, #tpu.memory_space<hbm>>
      %dma_wait3A_14 = tpu.memref_squeeze %dma_wait3A_13 : memref<1x4x128xi32, #tpu.memory_space<hbm>> -> memref<4x128xi32, #tpu.memory_space<hbm>>
      %dma_wait3A_15 = arith.constant 0 : i32
      %dma_wait3A_16 = arith.constant 0 : i32
      %dma_wait3A_17 = tpu.memref_slice %arg4[%add3A, %dma_wait3A_15, %dma_wait3A_16] : memref<32x4x128xi32, #tpu.memory_space<hbm>> -> memref<1x4x128xi32, #tpu.memory_space<hbm>>
      %dma_wait3A_18 = tpu.memref_squeeze %dma_wait3A_17 : memref<1x4x128xi32, #tpu.memory_space<hbm>> -> memref<4x128xi32, #tpu.memory_space<hbm>>
      tpu.wait_dma2 semaphore(%run_scoped3A : memref<!tpu.dma_semaphore, #tpu.memory_space<semaphore_mem>>) src(%dma_wait3A_18 : memref<4x128xi32, #tpu.memory_space<hbm>>) dst(%arg6 : memref<4x128xi32, #tpu.memory_space<vmem>>)
      tpu.yield
    }) : () -> ()
    %scan3A = arith.constant 0 : i32
    %scan3A_1 = arith.constant 16 : i32
    %scan3A_2 = arith.addi %scan3A, %scan3A_1 : i32
    %scan3A_3 = arith.constant 1 : i32
    scf.for %scan3A_5 = %scan3A to %scan3A_2 step %scan3A_3  : i32 {
      %mul3A_6 = arith.constant 1 : i32
      %mul3A_7 = arith.muli %scan3A_5, %mul3A_6 : i32
      %add3A_8 = arith.constant 0 : i32
      %add3A_9 = arith.addi %add3A_8, %mul3A_7 : i32
      %mul3A_10 = arith.constant 16 : i32
      %mul3A_11 = arith.muli %add3A, %mul3A_10 : i32
      %add3A_12 = arith.addi %mul3A_11, %add3A_9 : i32
      %mul3A_13 = arith.constant 50176 : i32
      %mul3A_14 = arith.muli %add3A_12, %mul3A_13 : i32
      "tpu.region"() ({
        %run_scoped3A_988 = tpu.sem_alloc : memref<!tpu.dma_semaphore, #tpu.memory_space<semaphore_mem>>
        %dma_start3A = arith.constant 0 : i32
        %dma_start3A_989 = arith.constant 0 : i32
        %dma_start3A_990 = tpu.memref_slice %arg3[%add3A, %add3A_9, %dma_start3A, %dma_start3A_989] : memref<32x16x4x128xf32, #tpu.memory_space<hbm>> -> memref<1x1x4x128xf32, #tpu.memory_space<hbm>>
        %dma_start3A_991 = tpu.memref_squeeze %dma_start3A_990 : memref<1x1x4x128xf32, #tpu.memory_space<hbm>> -> memref<4x128xf32, #tpu.memory_space<hbm>>
        %dma_start3A_992 = arith.constant 0 : i32
        %dma_start3A_993 = arith.constant 0 : i32
        %dma_start3A_994 = tpu.memref_slice %arg3[%add3A, %add3A_9, %dma_start3A_992, %dma_start3A_993] : memref<32x16x4x128xf32, #tpu.memory_space<hbm>> -> memref<1x1x4x128xf32, #tpu.memory_space<hbm>>
        %dma_start3A_995 = tpu.memref_squeeze %dma_start3A_994 : memref<1x1x4x128xf32, #tpu.memory_space<hbm>> -> memref<4x128xf32, #tpu.memory_space<hbm>>
        tpu.enqueue_dma source(%dma_start3A_995 : memref<4x128xf32, #tpu.memory_space<hbm>>) target(%arg8 : memref<4x128xf32, #tpu.memory_space<vmem>>) target_semaphore(%run_scoped3A_988 : memref<!tpu.dma_semaphore, #tpu.memory_space<semaphore_mem>>)
        %dma_wait3A = arith.constant 0 : i32
        %dma_wait3A_996 = arith.constant 0 : i32
        %dma_wait3A_997 = tpu.memref_slice %arg3[%add3A, %add3A_9, %dma_wait3A, %dma_wait3A_996] : memref<32x16x4x128xf32, #tpu.memory_space<hbm>> -> memref<1x1x4x128xf32, #tpu.memory_space<hbm>>
        %dma_wait3A_998 = tpu.memref_squeeze %dma_wait3A_997 : memref<1x1x4x128xf32, #tpu.memory_space<hbm>> -> memref<4x128xf32, #tpu.memory_space<hbm>>
        %dma_wait3A_999 = arith.constant 0 : i32
        %dma_wait3A_1000 = arith.constant 0 : i32
        %dma_wait3A_1001 = tpu.memref_slice %arg3[%add3A, %add3A_9, %dma_wait3A_999, %dma_wait3A_1000] : memref<32x16x4x128xf32, #tpu.memory_space<hbm>> -> memref<1x1x4x128xf32, #tpu.memory_space<hbm>>
        %dma_wait3A_1002 = tpu.memref_squeeze %dma_wait3A_1001 : memref<1x1x4x128xf32, #tpu.memory_space<hbm>> -> memref<4x128xf32, #tpu.memory_space<hbm>>
        tpu.wait_dma2 semaphore(%run_scoped3A_988 : memref<!tpu.dma_semaphore, #tpu.memory_space<semaphore_mem>>) src(%dma_wait3A_1002 : memref<4x128xf32, #tpu.memory_space<hbm>>) dst(%arg8 : memref<4x128xf32, #tpu.memory_space<vmem>>)
        tpu.yield
      }) : () -> ()
      %get3A = arith.constant 0 : i32
      %get3A_15 = arith.index_cast %get3A : i32 to index
      %get3A_16 = arith.constant 0 : index
      %get3A_17 = tpu.vector_load %arg6[%get3A_15, %get3A_16] {strides = array<i32>} : memref<4x128xi32, #tpu.memory_space<vmem>>, vector<1x16xi32>,
      %get3A_18 = vector.shape_cast %get3A_17 : vector<1x16xi32> to vector<16xi32>
      %add3A_19 = vector.broadcast %mul3A_14 : i32 to vector<16xi32>
      %add3A_20 = arith.addi %get3A_18, %add3A_19 : vector<16xi32>
      %swap3A = arith.constant 0 : i32
      %swap3A_21 = arith.index_cast %swap3A : i32 to index
      %swap3A_22 = arith.constant 0 : index
      %swap3A_23 = tpu.vector_load %arg7[%swap3A_21, %swap3A_22] {strides = array<i32>} : memref<4x128xi32, #tpu.memory_space<vmem>>, vector<1x16xi32>,
      %swap3A_24 = vector.shape_cast %swap3A_23 : vector<1x16xi32> to vector<16xi32>
      %swap3A_25 = vector.shape_cast %add3A_20 : vector<16xi32> to vector<1x16xi32>
      tpu.vector_store %arg7[%swap3A_21, %swap3A_22], %swap3A_25 {strides = array<i32>} : memref<4x128xi32, #tpu.memory_space<vmem>>, vector<1x16xi32>,
      %get3A_26 = arith.constant 0 : i32
      %get3A_27 = arith.index_cast %get3A_26 : i32 to index
      %get3A_28 = arith.constant 16 : index
      %get3A_29 = tpu.vector_load %arg6[%get3A_27, %get3A_28] {strides = array<i32>} : memref<4x128xi32, #tpu.memory_space<vmem>>, vector<1x16xi32>,
      %get3A_30 = vector.shape_cast %get3A_29 : vector<1x16xi32> to vector<16xi32>
      %add3A_31 = vector.broadcast %mul3A_14 : i32 to vector<16xi32>
      %add3A_32 = arith.addi %get3A_30, %add3A_31 : vector<16xi32>
      %swap3A_33 = arith.constant 0 : i32
      %swap3A_34 = arith.index_cast %swap3A_33 : i32 to index
      %swap3A_35 = arith.constant 16 : index
      %swap3A_36 = tpu.vector_load %arg7[%swap3A_34, %swap3A_35] {strides = array<i32>} : memref<4x128xi32, #tpu.memory_space<vmem>>, vector<1x16xi32>,
      %swap3A_37 = vector.shape_cast %swap3A_36 : vector<1x16xi32> to vector<16xi32>
      %swap3A_38 = vector.shape_cast %add3A_32 : vector<16xi32> to vector<1x16xi32>
      tpu.vector_store %arg7[%swap3A_34, %swap3A_35], %swap3A_38 {strides = array<i32>} : memref<4x128xi32, #tpu.memory_space<vmem>>, vector<1x16xi32>,
      %get3A_39 = arith.constant 0 : i32
      %get3A_40 = arith.index_cast %get3A_39 : i32 to index
      %get3A_41 = arith.constant 32 : index
      %get3A_42 = tpu.vector_load %arg6[%get3A_40, %get3A_41] {strides = array<i32>} : memref<4x128xi32, #tpu.memory_space<vmem>>, vector<1x16xi32>,
      %get3A_43 = vector.shape_cast %get3A_42 : vector<1x16xi32> to vector<16xi32>
      %add3A_44 = vector.broadcast %mul3A_14 : i32 to vector<16xi32>
      %add3A_45 = arith.addi %get3A_43, %add3A_44 : vector<16xi32>
      %swap3A_46 = arith.constant 0 : i32
      %swap3A_47 = arith.index_cast %swap3A_46 : i32 to index
      %swap3A_48 = arith.constant 32 : index
      %swap3A_49 = tpu.vector_load %arg7[%swap3A_47, %swap3A_48] {strides = array<i32>} : memref<4x128xi32, #tpu.memory_space<vmem>>, vector<1x16xi32>,
      %swap3A_50 = vector.shape_cast %swap3A_49 : vector<1x16xi32> to vector<16xi32>
      %swap3A_51 = vector.shape_cast %add3A_45 : vector<16xi32> to vector<1x16xi32>
      tpu.vector_store %arg7[%swap3A_47, %swap3A_48], %swap3A_51 {strides = array<i32>} : memref<4x128xi32, #tpu.memory_space<vmem>>, vector<1x16xi32>,
      %get3A_52 = arith.constant 0 : i32
      %get3A_53 = arith.index_cast %get3A_52 : i32 to index
      %get3A_54 = arith.constant 48 : index
      %get3A_55 = tpu.vector_load %arg6[%get3A_53, %get3A_54] {strides = array<i32>} : memref<4x128xi32, #tpu.memory_space<vmem>>, vector<1x16xi32>,
      %get3A_56 = vector.shape_cast %get3A_55 : vector<1x16xi32> to vector<16xi32>
      %add3A_57 = vector.broadcast %mul3A_14 : i32 to vector<16xi32>
      %add3A_58 = arith.addi %get3A_56, %add3A_57 : vector<16xi32>
      %swap3A_59 = arith.constant 0 : i32
      %swap3A_60 = arith.index_cast %swap3A_59 : i32 to index
      %swap3A_61 = arith.constant 48 : index
      %swap3A_62 = tpu.vector_load %arg7[%swap3A_60, %swap3A_61] {strides = array<i32>} : memref<4x128xi32, #tpu.memory_space<vmem>>, vector<1x16xi32>,
      %swap3A_63 = vector.shape_cast %swap3A_62 : vector<1x16xi32> to vector<16xi32>
      %swap3A_64 = vector.shape_cast %add3A_58 : vector<16xi32> to vector<1x16xi32>
      tpu.vector_store %arg7[%swap3A_60, %swap3A_61], %swap3A_64 {strides = array<i32>} : memref<4x128xi32, #tpu.memory_space<vmem>>, vector<1x16xi32>,
      %get3A_65 = arith.constant 0 : i32
      %get3A_66 = arith.index_cast %get3A_65 : i32 to index
      %get3A_67 = arith.constant 64 : index
      %get3A_68 = tpu.vector_load %arg6[%get3A_66, %get3A_67] {strides = array<i32>} : memref<4x128xi32, #tpu.memory_space<vmem>>, vector<1x16xi32>,
      %get3A_69 = vector.shape_cast %get3A_68 : vector<1x16xi32> to vector<16xi32>
      %add3A_70 = vector.broadcast %mul3A_14 : i32 to vector<16xi32>
      %add3A_71 = arith.addi %get3A_69, %add3A_70 : vector<16xi32>
      %swap3A_72 = arith.constant 0 : i32
      %swap3A_73 = arith.index_cast %swap3A_72 : i32 to index
      %swap3A_74 = arith.constant 64 : index
      %swap3A_75 = tpu.vector_load %arg7[%swap3A_73, %swap3A_74] {strides = array<i32>} : memref<4x128xi32, #tpu.memory_space<vmem>>, vector<1x16xi32>,
      %swap3A_76 = vector.shape_cast %swap3A_75 : vector<1x16xi32> to vector<16xi32>
      %swap3A_77 = vector.shape_cast %add3A_71 : vector<16xi32> to vector<1x16xi32>
      tpu.vector_store %arg7[%swap3A_73, %swap3A_74], %swap3A_77 {strides = array<i32>} : memref<4x128xi32, #tpu.memory_space<vmem>>, vector<1x16xi32>,
      %get3A_78 = arith.constant 0 : i32
      %get3A_79 = arith.index_cast %get3A_78 : i32 to index
      %get3A_80 = arith.constant 80 : index
      %get3A_81 = tpu.vector_load %arg6[%get3A_79, %get3A_80] {strides = array<i32>} : memref<4x128xi32, #tpu.memory_space<vmem>>, vector<1x16xi32>,
      %get3A_82 = vector.shape_cast %get3A_81 : vector<1x16xi32> to vector<16xi32>
      %add3A_83 = vector.broadcast %mul3A_14 : i32 to vector<16xi32>
      %add3A_84 = arith.addi %get3A_82, %add3A_83 : vector<16xi32>
      %swap3A_85 = arith.constant 0 : i32
      %swap3A_86 = arith.index_cast %swap3A_85 : i32 to index
      %swap3A_87 = arith.constant 80 : index
      %swap3A_88 = tpu.vector_load %arg7[%swap3A_86, %swap3A_87] {strides = array<i32>} : memref<4x128xi32, #tpu.memory_space<vmem>>, vector<1x16xi32>,
      %swap3A_89 = vector.shape_cast %swap3A_88 : vector<1x16xi32> to vector<16xi32>
      %swap3A_90 = vector.shape_cast %add3A_84 : vector<16xi32> to vector<1x16xi32>
      tpu.vector_store %arg7[%swap3A_86, %swap3A_87], %swap3A_90 {strides = array<i32>} : memref<4x128xi32, #tpu.memory_space<vmem>>, vector<1x16xi32>,
      %get3A_91 = arith.constant 0 : i32
      %get3A_92 = arith.index_cast %get3A_91 : i32 to index
      %get3A_93 = arith.constant 96 : index
      %get3A_94 = tpu.vector_load %arg6[%get3A_92, %get3A_93] {strides = array<i32>} : memref<4x128xi32, #tpu.memory_space<vmem>>, vector<1x16xi32>,
      %get3A_95 = vector.shape_cast %get3A_94 : vector<1x16xi32> to vector<16xi32>
      %add3A_96 = vector.broadcast %mul3A_14 : i32 to vector<16xi32>
      %add3A_97 = arith.addi %get3A_95, %add3A_96 : vector<16xi32>
      %swap3A_98 = arith.constant 0 : i32
      %swap3A_99 = arith.index_cast %swap3A_98 : i32 to index
      %swap3A_100 = arith.constant 96 : index
      %swap3A_101 = tpu.vector_load %arg7[%swap3A_99, %swap3A_100] {strides = array<i32>} : memref<4x128xi32, #tpu.memory_space<vmem>>, vector<1x16xi32>,
      %swap3A_102 = vector.shape_cast %swap3A_101 : vector<1x16xi32> to vector<16xi32>
      %swap3A_103 = vector.shape_cast %add3A_97 : vector<16xi32> to vector<1x16xi32>
      tpu.vector_store %arg7[%swap3A_99, %swap3A_100], %swap3A_103 {strides = array<i32>} : memref<4x128xi32, #tpu.memory_space<vmem>>, vector<1x16xi32>,
      %get3A_104 = arith.constant 0 : i32
      %get3A_105 = arith.index_cast %get3A_104 : i32 to index
      %get3A_106 = arith.constant 112 : index
      %get3A_107 = tpu.vector_load %arg6[%get3A_105, %get3A_106] {strides = array<i32>} : memref<4x128xi32, #tpu.memory_space<vmem>>, vector<1x16xi32>,
      %get3A_108 = vector.shape_cast %get3A_107 : vector<1x16xi32> to vector<16xi32>
      %add3A_109 = vector.broadcast %mul3A_14 : i32 to vector<16xi32>
      %add3A_110 = arith.addi %get3A_108, %add3A_109 : vector<16xi32>
      %swap3A_111 = arith.constant 0 : i32
      %swap3A_112 = arith.index_cast %swap3A_111 : i32 to index
      %swap3A_113 = arith.constant 112 : index
      %swap3A_114 = tpu.vector_load %arg7[%swap3A_112, %swap3A_113] {strides = array<i32>} : memref<4x128xi32, #tpu.memory_space<vmem>>, vector<1x16xi32>,
      %swap3A_115 = vector.shape_cast %swap3A_114 : vector<1x16xi32> to vector<16xi32>
      %swap3A_116 = vector.shape_cast %add3A_110 : vector<16xi32> to vector<1x16xi32>
      tpu.vector_store %arg7[%swap3A_112, %swap3A_113], %swap3A_116 {strides = array<i32>} : memref<4x128xi32, #tpu.memory_space<vmem>>, vector<1x16xi32>,
      %get3A_117 = arith.constant 1 : i32
      %get3A_118 = arith.index_cast %get3A_117 : i32 to index
      %get3A_119 = arith.constant 0 : index
      %get3A_120 = tpu.vector_load %arg6[%get3A_118, %get3A_119] {strides = array<i32>} : memref<4x128xi32, #tpu.memory_space<vmem>>, vector<1x16xi32>,
      %get3A_121 = vector.shape_cast %get3A_120 : vector<1x16xi32> to vector<16xi32>
      %add3A_122 = vector.broadcast %mul3A_14 : i32 to vector<16xi32>
      %add3A_123 = arith.addi %get3A_121, %add3A_122 : vector<16xi32>
      %swap3A_124 = arith.constant 1 : i32
      %swap3A_125 = arith.index_cast %swap3A_124 : i32 to index
      %swap3A_126 = arith.constant 0 : index
      %swap3A_127 = tpu.vector_load %arg7[%swap3A_125, %swap3A_126] {strides = array<i32>} : memref<4x128xi32, #tpu.memory_space<vmem>>, vector<1x16xi32>,
      %swap3A_128 = vector.shape_cast %swap3A_127 : vector<1x16xi32> to vector<16xi32>
      %swap3A_129 = vector.shape_cast %add3A_123 : vector<16xi32> to vector<1x16xi32>
      tpu.vector_store %arg7[%swap3A_125, %swap3A_126], %swap3A_129 {strides = array<i32>} : memref<4x128xi32, #tpu.memory_space<vmem>>, vector<1x16xi32>,
      %get3A_130 = arith.constant 1 : i32
      %get3A_131 = arith.index_cast %get3A_130 : i32 to index
      %get3A_132 = arith.constant 16 : index
      %get3A_133 = tpu.vector_load %arg6[%get3A_131, %get3A_132] {strides = array<i32>} : memref<4x128xi32, #tpu.memory_space<vmem>>, vector<1x16xi32>,
      %get3A_134 = vector.shape_cast %get3A_133 : vector<1x16xi32> to vector<16xi32>
      %add3A_135 = vector.broadcast %mul3A_14 : i32 to vector<16xi32>
      %add3A_136 = arith.addi %get3A_134, %add3A_135 : vector<16xi32>
      %swap3A_137 = arith.constant 1 : i32
      %swap3A_138 = arith.index_cast %swap3A_137 : i32 to index
      %swap3A_139 = arith.constant 16 : index
      %swap3A_140 = tpu.vector_load %arg7[%swap3A_138, %swap3A_139] {strides = array<i32>} : memref<4x128xi32, #tpu.memory_space<vmem>>, vector<1x16xi32>,
      %swap3A_141 = vector.shape_cast %swap3A_140 : vector<1x16xi32> to vector<16xi32>
      %swap3A_142 = vector.shape_cast %add3A_136 : vector<16xi32> to vector<1x16xi32>
      tpu.vector_store %arg7[%swap3A_138, %swap3A_139], %swap3A_142 {strides = array<i32>} : memref<4x128xi32, #tpu.memory_space<vmem>>, vector<1x16xi32>,
      %get3A_143 = arith.constant 1 : i32
      %get3A_144 = arith.index_cast %get3A_143 : i32 to index
      %get3A_145 = arith.constant 32 : index
      %get3A_146 = tpu.vector_load %arg6[%get3A_144, %get3A_145] {strides = array<i32>} : memref<4x128xi32, #tpu.memory_space<vmem>>, vector<1x16xi32>,
      %get3A_147 = vector.shape_cast %get3A_146 : vector<1x16xi32> to vector<16xi32>
      %add3A_148 = vector.broadcast %mul3A_14 : i32 to vector<16xi32>
      %add3A_149 = arith.addi %get3A_147, %add3A_148 : vector<16xi32>
      %swap3A_150 = arith.constant 1 : i32
      %swap3A_151 = arith.index_cast %swap3A_150 : i32 to index
      %swap3A_152 = arith.constant 32 : index
      %swap3A_153 = tpu.vector_load %arg7[%swap3A_151, %swap3A_152] {strides = array<i32>} : memref<4x128xi32, #tpu.memory_space<vmem>>, vector<1x16xi32>,
      %swap3A_154 = vector.shape_cast %swap3A_153 : vector<1x16xi32> to vector<16xi32>
      %swap3A_155 = vector.shape_cast %add3A_149 : vector<16xi32> to vector<1x16xi32>
      tpu.vector_store %arg7[%swap3A_151, %swap3A_152], %swap3A_155 {strides = array<i32>} : memref<4x128xi32, #tpu.memory_space<vmem>>, vector<1x16xi32>,
      %get3A_156 = arith.constant 1 : i32
      %get3A_157 = arith.index_cast %get3A_156 : i32 to index
      %get3A_158 = arith.constant 48 : index
      %get3A_159 = tpu.vector_load %arg6[%get3A_157, %get3A_158] {strides = array<i32>} : memref<4x128xi32, #tpu.memory_space<vmem>>, vector<1x16xi32>,
      %get3A_160 = vector.shape_cast %get3A_159 : vector<1x16xi32> to vector<16xi32>
      %add3A_161 = vector.broadcast %mul3A_14 : i32 to vector<16xi32>
      %add3A_162 = arith.addi %get3A_160, %add3A_161 : vector<16xi32>
      %swap3A_163 = arith.constant 1 : i32
      %swap3A_164 = arith.index_cast %swap3A_163 : i32 to index
      %swap3A_165 = arith.constant 48 : index
      %swap3A_166 = tpu.vector_load %arg7[%swap3A_164, %swap3A_165] {strides = array<i32>} : memref<4x128xi32, #tpu.memory_space<vmem>>, vector<1x16xi32>,
      %swap3A_167 = vector.shape_cast %swap3A_166 : vector<1x16xi32> to vector<16xi32>
      %swap3A_168 = vector.shape_cast %add3A_162 : vector<16xi32> to vector<1x16xi32>
      tpu.vector_store %arg7[%swap3A_164, %swap3A_165], %swap3A_168 {strides = array<i32>} : memref<4x128xi32, #tpu.memory_space<vmem>>, vector<1x16xi32>,
      %get3A_169 = arith.constant 1 : i32
      %get3A_170 = arith.index_cast %get3A_169 : i32 to index
      %get3A_171 = arith.constant 64 : index
      %get3A_172 = tpu.vector_load %arg6[%get3A_170, %get3A_171] {strides = array<i32>} : memref<4x128xi32, #tpu.memory_space<vmem>>, vector<1x16xi32>,
      %get3A_173 = vector.shape_cast %get3A_172 : vector<1x16xi32> to vector<16xi32>
      %add3A_174 = vector.broadcast %mul3A_14 : i32 to vector<16xi32>
      %add3A_175 = arith.addi %get3A_173, %add3A_174 : vector<16xi32>
      %swap3A_176 = arith.constant 1 : i32
      %swap3A_177 = arith.index_cast %swap3A_176 : i32 to index
      %swap3A_178 = arith.constant 64 : index
      %swap3A_179 = tpu.vector_load %arg7[%swap3A_177, %swap3A_178] {strides = array<i32>} : memref<4x128xi32, #tpu.memory_space<vmem>>, vector<1x16xi32>,
      %swap3A_180 = vector.shape_cast %swap3A_179 : vector<1x16xi32> to vector<16xi32>
      %swap3A_181 = vector.shape_cast %add3A_175 : vector<16xi32> to vector<1x16xi32>
      tpu.vector_store %arg7[%swap3A_177, %swap3A_178], %swap3A_181 {strides = array<i32>} : memref<4x128xi32, #tpu.memory_space<vmem>>, vector<1x16xi32>,
      %get3A_182 = arith.constant 1 : i32
      %get3A_183 = arith.index_cast %get3A_182 : i32 to index
      %get3A_184 = arith.constant 80 : index
      %get3A_185 = tpu.vector_load %arg6[%get3A_183, %get3A_184] {strides = array<i32>} : memref<4x128xi32, #tpu.memory_space<vmem>>, vector<1x16xi32>,
      %get3A_186 = vector.shape_cast %get3A_185 : vector<1x16xi32> to vector<16xi32>
      %add3A_187 = vector.broadcast %mul3A_14 : i32 to vector<16xi32>
      %add3A_188 = arith.addi %get3A_186, %add3A_187 : vector<16xi32>
      %swap3A_189 = arith.constant 1 : i32
      %swap3A_190 = arith.index_cast %swap3A_189 : i32 to index
      %swap3A_191 = arith.constant 80 : index
      %swap3A_192 = tpu.vector_load %arg7[%swap3A_190, %swap3A_191] {strides = array<i32>} : memref<4x128xi32, #tpu.memory_space<vmem>>, vector<1x16xi32>,
      %swap3A_193 = vector.shape_cast %swap3A_192 : vector<1x16xi32> to vector<16xi32>
      %swap3A_194 = vector.shape_cast %add3A_188 : vector<16xi32> to vector<1x16xi32>
      tpu.vector_store %arg7[%swap3A_190, %swap3A_191], %swap3A_194 {strides = array<i32>} : memref<4x128xi32, #tpu.memory_space<vmem>>, vector<1x16xi32>,
      %get3A_195 = arith.constant 1 : i32
      %get3A_196 = arith.index_cast %get3A_195 : i32 to index
      %get3A_197 = arith.constant 96 : index
      %get3A_198 = tpu.vector_load %arg6[%get3A_196, %get3A_197] {strides = array<i32>} : memref<4x128xi32, #tpu.memory_space<vmem>>, vector<1x16xi32>,
      %get3A_199 = vector.shape_cast %get3A_198 : vector<1x16xi32> to vector<16xi32>
      %add3A_200 = vector.broadcast %mul3A_14 : i32 to vector<16xi32>
      %add3A_201 = arith.addi %get3A_199, %add3A_200 : vector<16xi32>
      %swap3A_202 = arith.constant 1 : i32
      %swap3A_203 = arith.index_cast %swap3A_202 : i32 to index
      %swap3A_204 = arith.constant 96 : index
      %swap3A_205 = tpu.vector_load %arg7[%swap3A_203, %swap3A_204] {strides = array<i32>} : memref<4x128xi32, #tpu.memory_space<vmem>>, vector<1x16xi32>,
      %swap3A_206 = vector.shape_cast %swap3A_205 : vector<1x16xi32> to vector<16xi32>
      %swap3A_207 = vector.shape_cast %add3A_201 : vector<16xi32> to vector<1x16xi32>
      tpu.vector_store %arg7[%swap3A_203, %swap3A_204], %swap3A_207 {strides = array<i32>} : memref<4x128xi32, #tpu.memory_space<vmem>>, vector<1x16xi32>,
      %get3A_208 = arith.constant 1 : i32
      %get3A_209 = arith.index_cast %get3A_208 : i32 to index
      %get3A_210 = arith.constant 112 : index
      %get3A_211 = tpu.vector_load %arg6[%get3A_209, %get3A_210] {strides = array<i32>} : memref<4x128xi32, #tpu.memory_space<vmem>>, vector<1x16xi32>,
      %get3A_212 = vector.shape_cast %get3A_211 : vector<1x16xi32> to vector<16xi32>
      %add3A_213 = vector.broadcast %mul3A_14 : i32 to vector<16xi32>
      %add3A_214 = arith.addi %get3A_212, %add3A_213 : vector<16xi32>
      %swap3A_215 = arith.constant 1 : i32
      %swap3A_216 = arith.index_cast %swap3A_215 : i32 to index
      %swap3A_217 = arith.constant 112 : index
      %swap3A_218 = tpu.vector_load %arg7[%swap3A_216, %swap3A_217] {strides = array<i32>} : memref<4x128xi32, #tpu.memory_space<vmem>>, vector<1x16xi32>,
      %swap3A_219 = vector.shape_cast %swap3A_218 : vector<1x16xi32> to vector<16xi32>
      %swap3A_220 = vector.shape_cast %add3A_214 : vector<16xi32> to vector<1x16xi32>
      tpu.vector_store %arg7[%swap3A_216, %swap3A_217], %swap3A_220 {strides = array<i32>} : memref<4x128xi32, #tpu.memory_space<vmem>>, vector<1x16xi32>,
      %get3A_221 = arith.constant 2 : i32
      %get3A_222 = arith.index_cast %get3A_221 : i32 to index
      %get3A_223 = arith.constant 0 : index
      %get3A_224 = tpu.vector_load %arg6[%get3A_222, %get3A_223] {strides = array<i32>} : memref<4x128xi32, #tpu.memory_space<vmem>>, vector<1x16xi32>,
      %get3A_225 = vector.shape_cast %get3A_224 : vector<1x16xi32> to vector<16xi32>
      %add3A_226 = vector.broadcast %mul3A_14 : i32 to vector<16xi32>
      %add3A_227 = arith.addi %get3A_225, %add3A_226 : vector<16xi32>
      %swap3A_228 = arith.constant 2 : i32
      %swap3A_229 = arith.index_cast %swap3A_228 : i32 to index
      %swap3A_230 = arith.constant 0 : index
      %swap3A_231 = tpu.vector_load %arg7[%swap3A_229, %swap3A_230] {strides = array<i32>} : memref<4x128xi32, #tpu.memory_space<vmem>>, vector<1x16xi32>,
      %swap3A_232 = vector.shape_cast %swap3A_231 : vector<1x16xi32> to vector<16xi32>
      %swap3A_233 = vector.shape_cast %add3A_227 : vector<16xi32> to vector<1x16xi32>
      tpu.vector_store %arg7[%swap3A_229, %swap3A_230], %swap3A_233 {strides = array<i32>} : memref<4x128xi32, #tpu.memory_space<vmem>>, vector<1x16xi32>,
      %get3A_234 = arith.constant 2 : i32
      %get3A_235 = arith.index_cast %get3A_234 : i32 to index
      %get3A_236 = arith.constant 16 : index
      %get3A_237 = tpu.vector_load %arg6[%get3A_235, %get3A_236] {strides = array<i32>} : memref<4x128xi32, #tpu.memory_space<vmem>>, vector<1x16xi32>,
      %get3A_238 = vector.shape_cast %get3A_237 : vector<1x16xi32> to vector<16xi32>
      %add3A_239 = vector.broadcast %mul3A_14 : i32 to vector<16xi32>
      %add3A_240 = arith.addi %get3A_238, %add3A_239 : vector<16xi32>
      %swap3A_241 = arith.constant 2 : i32
      %swap3A_242 = arith.index_cast %swap3A_241 : i32 to index
      %swap3A_243 = arith.constant 16 : index
      %swap3A_244 = tpu.vector_load %arg7[%swap3A_242, %swap3A_243] {strides = array<i32>} : memref<4x128xi32, #tpu.memory_space<vmem>>, vector<1x16xi32>,
      %swap3A_245 = vector.shape_cast %swap3A_244 : vector<1x16xi32> to vector<16xi32>
      %swap3A_246 = vector.shape_cast %add3A_240 : vector<16xi32> to vector<1x16xi32>
      tpu.vector_store %arg7[%swap3A_242, %swap3A_243], %swap3A_246 {strides = array<i32>} : memref<4x128xi32, #tpu.memory_space<vmem>>, vector<1x16xi32>,
      %get3A_247 = arith.constant 2 : i32
      %get3A_248 = arith.index_cast %get3A_247 : i32 to index
      %get3A_249 = arith.constant 32 : index
      %get3A_250 = tpu.vector_load %arg6[%get3A_248, %get3A_249] {strides = array<i32>} : memref<4x128xi32, #tpu.memory_space<vmem>>, vector<1x16xi32>,
      %get3A_251 = vector.shape_cast %get3A_250 : vector<1x16xi32> to vector<16xi32>
      %add3A_252 = vector.broadcast %mul3A_14 : i32 to vector<16xi32>
      %add3A_253 = arith.addi %get3A_251, %add3A_252 : vector<16xi32>
      %swap3A_254 = arith.constant 2 : i32
      %swap3A_255 = arith.index_cast %swap3A_254 : i32 to index
      %swap3A_256 = arith.constant 32 : index
      %swap3A_257 = tpu.vector_load %arg7[%swap3A_255, %swap3A_256] {strides = array<i32>} : memref<4x128xi32, #tpu.memory_space<vmem>>, vector<1x16xi32>,
      %swap3A_258 = vector.shape_cast %swap3A_257 : vector<1x16xi32> to vector<16xi32>
      %swap3A_259 = vector.shape_cast %add3A_253 : vector<16xi32> to vector<1x16xi32>
      tpu.vector_store %arg7[%swap3A_255, %swap3A_256], %swap3A_259 {strides = array<i32>} : memref<4x128xi32, #tpu.memory_space<vmem>>, vector<1x16xi32>,
      %get3A_260 = arith.constant 2 : i32
      %get3A_261 = arith.index_cast %get3A_260 : i32 to index
      %get3A_262 = arith.constant 48 : index
      %get3A_263 = tpu.vector_load %arg6[%get3A_261, %get3A_262] {strides = array<i32>} : memref<4x128xi32, #tpu.memory_space<vmem>>, vector<1x16xi32>,
      %get3A_264 = vector.shape_cast %get3A_263 : vector<1x16xi32> to vector<16xi32>
      %add3A_265 = vector.broadcast %mul3A_14 : i32 to vector<16xi32>
      %add3A_266 = arith.addi %get3A_264, %add3A_265 : vector<16xi32>
      %swap3A_267 = arith.constant 2 : i32
      %swap3A_268 = arith.index_cast %swap3A_267 : i32 to index
      %swap3A_269 = arith.constant 48 : index
      %swap3A_270 = tpu.vector_load %arg7[%swap3A_268, %swap3A_269] {strides = array<i32>} : memref<4x128xi32, #tpu.memory_space<vmem>>, vector<1x16xi32>,
      %swap3A_271 = vector.shape_cast %swap3A_270 : vector<1x16xi32> to vector<16xi32>
      %swap3A_272 = vector.shape_cast %add3A_266 : vector<16xi32> to vector<1x16xi32>
      tpu.vector_store %arg7[%swap3A_268, %swap3A_269], %swap3A_272 {strides = array<i32>} : memref<4x128xi32, #tpu.memory_space<vmem>>, vector<1x16xi32>,
      %get3A_273 = arith.constant 2 : i32
      %get3A_274 = arith.index_cast %get3A_273 : i32 to index
      %get3A_275 = arith.constant 64 : index
      %get3A_276 = tpu.vector_load %arg6[%get3A_274, %get3A_275] {strides = array<i32>} : memref<4x128xi32, #tpu.memory_space<vmem>>, vector<1x16xi32>,
      %get3A_277 = vector.shape_cast %get3A_276 : vector<1x16xi32> to vector<16xi32>
      %add3A_278 = vector.broadcast %mul3A_14 : i32 to vector<16xi32>
      %add3A_279 = arith.addi %get3A_277, %add3A_278 : vector<16xi32>
      %swap3A_280 = arith.constant 2 : i32
      %swap3A_281 = arith.index_cast %swap3A_280 : i32 to index
      %swap3A_282 = arith.constant 64 : index
      %swap3A_283 = tpu.vector_load %arg7[%swap3A_281, %swap3A_282] {strides = array<i32>} : memref<4x128xi32, #tpu.memory_space<vmem>>, vector<1x16xi32>,
      %swap3A_284 = vector.shape_cast %swap3A_283 : vector<1x16xi32> to vector<16xi32>
      %swap3A_285 = vector.shape_cast %add3A_279 : vector<16xi32> to vector<1x16xi32>
      tpu.vector_store %arg7[%swap3A_281, %swap3A_282], %swap3A_285 {strides = array<i32>} : memref<4x128xi32, #tpu.memory_space<vmem>>, vector<1x16xi32>,
      %get3A_286 = arith.constant 2 : i32
      %get3A_287 = arith.index_cast %get3A_286 : i32 to index
      %get3A_288 = arith.constant 80 : index
      %get3A_289 = tpu.vector_load %arg6[%get3A_287, %get3A_288] {strides = array<i32>} : memref<4x128xi32, #tpu.memory_space<vmem>>, vector<1x16xi32>,
      %get3A_290 = vector.shape_cast %get3A_289 : vector<1x16xi32> to vector<16xi32>
      %add3A_291 = vector.broadcast %mul3A_14 : i32 to vector<16xi32>
      %add3A_292 = arith.addi %get3A_290, %add3A_291 : vector<16xi32>
      %swap3A_293 = arith.constant 2 : i32
      %swap3A_294 = arith.index_cast %swap3A_293 : i32 to index
      %swap3A_295 = arith.constant 80 : index
      %swap3A_296 = tpu.vector_load %arg7[%swap3A_294, %swap3A_295] {strides = array<i32>} : memref<4x128xi32, #tpu.memory_space<vmem>>, vector<1x16xi32>,
      %swap3A_297 = vector.shape_cast %swap3A_296 : vector<1x16xi32> to vector<16xi32>
      %swap3A_298 = vector.shape_cast %add3A_292 : vector<16xi32> to vector<1x16xi32>
      tpu.vector_store %arg7[%swap3A_294, %swap3A_295], %swap3A_298 {strides = array<i32>} : memref<4x128xi32, #tpu.memory_space<vmem>>, vector<1x16xi32>,
      %get3A_299 = arith.constant 2 : i32
      %get3A_300 = arith.index_cast %get3A_299 : i32 to index
      %get3A_301 = arith.constant 96 : index
      %get3A_302 = tpu.vector_load %arg6[%get3A_300, %get3A_301] {strides = array<i32>} : memref<4x128xi32, #tpu.memory_space<vmem>>, vector<1x16xi32>,
      %get3A_303 = vector.shape_cast %get3A_302 : vector<1x16xi32> to vector<16xi32>
      %add3A_304 = vector.broadcast %mul3A_14 : i32 to vector<16xi32>
      %add3A_305 = arith.addi %get3A_303, %add3A_304 : vector<16xi32>
      %swap3A_306 = arith.constant 2 : i32
      %swap3A_307 = arith.index_cast %swap3A_306 : i32 to index
      %swap3A_308 = arith.constant 96 : index
      %swap3A_309 = tpu.vector_load %arg7[%swap3A_307, %swap3A_308] {strides = array<i32>} : memref<4x128xi32, #tpu.memory_space<vmem>>, vector<1x16xi32>,
      %swap3A_310 = vector.shape_cast %swap3A_309 : vector<1x16xi32> to vector<16xi32>
      %swap3A_311 = vector.shape_cast %add3A_305 : vector<16xi32> to vector<1x16xi32>
      tpu.vector_store %arg7[%swap3A_307, %swap3A_308], %swap3A_311 {strides = array<i32>} : memref<4x128xi32, #tpu.memory_space<vmem>>, vector<1x16xi32>,
      %get3A_312 = arith.constant 2 : i32
      %get3A_313 = arith.index_cast %get3A_312 : i32 to index
      %get3A_314 = arith.constant 112 : index
      %get3A_315 = tpu.vector_load %arg6[%get3A_313, %get3A_314] {strides = array<i32>} : memref<4x128xi32, #tpu.memory_space<vmem>>, vector<1x16xi32>,
      %get3A_316 = vector.shape_cast %get3A_315 : vector<1x16xi32> to vector<16xi32>
      %add3A_317 = vector.broadcast %mul3A_14 : i32 to vector<16xi32>
      %add3A_318 = arith.addi %get3A_316, %add3A_317 : vector<16xi32>
      %swap3A_319 = arith.constant 2 : i32
      %swap3A_320 = arith.index_cast %swap3A_319 : i32 to index
      %swap3A_321 = arith.constant 112 : index
      %swap3A_322 = tpu.vector_load %arg7[%swap3A_320, %swap3A_321] {strides = array<i32>} : memref<4x128xi32, #tpu.memory_space<vmem>>, vector<1x16xi32>,
      %swap3A_323 = vector.shape_cast %swap3A_322 : vector<1x16xi32> to vector<16xi32>
      %swap3A_324 = vector.shape_cast %add3A_318 : vector<16xi32> to vector<1x16xi32>
      tpu.vector_store %arg7[%swap3A_320, %swap3A_321], %swap3A_324 {strides = array<i32>} : memref<4x128xi32, #tpu.memory_space<vmem>>, vector<1x16xi32>,
      %get3A_325 = arith.constant 3 : i32
      %get3A_326 = arith.index_cast %get3A_325 : i32 to index
      %get3A_327 = arith.constant 0 : index
      %get3A_328 = tpu.vector_load %arg6[%get3A_326, %get3A_327] {strides = array<i32>} : memref<4x128xi32, #tpu.memory_space<vmem>>, vector<1x16xi32>,
      %get3A_329 = vector.shape_cast %get3A_328 : vector<1x16xi32> to vector<16xi32>
      %add3A_330 = vector.broadcast %mul3A_14 : i32 to vector<16xi32>
      %add3A_331 = arith.addi %get3A_329, %add3A_330 : vector<16xi32>
      %swap3A_332 = arith.constant 3 : i32
      %swap3A_333 = arith.index_cast %swap3A_332 : i32 to index
      %swap3A_334 = arith.constant 0 : index
      %swap3A_335 = tpu.vector_load %arg7[%swap3A_333, %swap3A_334] {strides = array<i32>} : memref<4x128xi32, #tpu.memory_space<vmem>>, vector<1x16xi32>,
      %swap3A_336 = vector.shape_cast %swap3A_335 : vector<1x16xi32> to vector<16xi32>
      %swap3A_337 = vector.shape_cast %add3A_331 : vector<16xi32> to vector<1x16xi32>
      tpu.vector_store %arg7[%swap3A_333, %swap3A_334], %swap3A_337 {strides = array<i32>} : memref<4x128xi32, #tpu.memory_space<vmem>>, vector<1x16xi32>,
      %get3A_338 = arith.constant 3 : i32
      %get3A_339 = arith.index_cast %get3A_338 : i32 to index
      %get3A_340 = arith.constant 16 : index
      %get3A_341 = tpu.vector_load %arg6[%get3A_339, %get3A_340] {strides = array<i32>} : memref<4x128xi32, #tpu.memory_space<vmem>>, vector<1x16xi32>,
      %get3A_342 = vector.shape_cast %get3A_341 : vector<1x16xi32> to vector<16xi32>
      %add3A_343 = vector.broadcast %mul3A_14 : i32 to vector<16xi32>
      %add3A_344 = arith.addi %get3A_342, %add3A_343 : vector<16xi32>
      %swap3A_345 = arith.constant 3 : i32
      %swap3A_346 = arith.index_cast %swap3A_345 : i32 to index
      %swap3A_347 = arith.constant 16 : index
      %swap3A_348 = tpu.vector_load %arg7[%swap3A_346, %swap3A_347] {strides = array<i32>} : memref<4x128xi32, #tpu.memory_space<vmem>>, vector<1x16xi32>,
      %swap3A_349 = vector.shape_cast %swap3A_348 : vector<1x16xi32> to vector<16xi32>
      %swap3A_350 = vector.shape_cast %add3A_344 : vector<16xi32> to vector<1x16xi32>
      tpu.vector_store %arg7[%swap3A_346, %swap3A_347], %swap3A_350 {strides = array<i32>} : memref<4x128xi32, #tpu.memory_space<vmem>>, vector<1x16xi32>,
      %get3A_351 = arith.constant 3 : i32
      %get3A_352 = arith.index_cast %get3A_351 : i32 to index
      %get3A_353 = arith.constant 32 : index
      %get3A_354 = tpu.vector_load %arg6[%get3A_352, %get3A_353] {strides = array<i32>} : memref<4x128xi32, #tpu.memory_space<vmem>>, vector<1x16xi32>,
      %get3A_355 = vector.shape_cast %get3A_354 : vector<1x16xi32> to vector<16xi32>
      %add3A_356 = vector.broadcast %mul3A_14 : i32 to vector<16xi32>
      %add3A_357 = arith.addi %get3A_355, %add3A_356 : vector<16xi32>
      %swap3A_358 = arith.constant 3 : i32
      %swap3A_359 = arith.index_cast %swap3A_358 : i32 to index
      %swap3A_360 = arith.constant 32 : index
      %swap3A_361 = tpu.vector_load %arg7[%swap3A_359, %swap3A_360] {strides = array<i32>} : memref<4x128xi32, #tpu.memory_space<vmem>>, vector<1x16xi32>,
      %swap3A_362 = vector.shape_cast %swap3A_361 : vector<1x16xi32> to vector<16xi32>
      %swap3A_363 = vector.shape_cast %add3A_357 : vector<16xi32> to vector<1x16xi32>
      tpu.vector_store %arg7[%swap3A_359, %swap3A_360], %swap3A_363 {strides = array<i32>} : memref<4x128xi32, #tpu.memory_space<vmem>>, vector<1x16xi32>,
      %get3A_364 = arith.constant 3 : i32
      %get3A_365 = arith.index_cast %get3A_364 : i32 to index
      %get3A_366 = arith.constant 48 : index
      %get3A_367 = tpu.vector_load %arg6[%get3A_365, %get3A_366] {strides = array<i32>} : memref<4x128xi32, #tpu.memory_space<vmem>>, vector<1x16xi32>,
      %get3A_368 = vector.shape_cast %get3A_367 : vector<1x16xi32> to vector<16xi32>
      %add3A_369 = vector.broadcast %mul3A_14 : i32 to vector<16xi32>
      %add3A_370 = arith.addi %get3A_368, %add3A_369 : vector<16xi32>
      %swap3A_371 = arith.constant 3 : i32
      %swap3A_372 = arith.index_cast %swap3A_371 : i32 to index
      %swap3A_373 = arith.constant 48 : index
      %swap3A_374 = tpu.vector_load %arg7[%swap3A_372, %swap3A_373] {strides = array<i32>} : memref<4x128xi32, #tpu.memory_space<vmem>>, vector<1x16xi32>,
      %swap3A_375 = vector.shape_cast %swap3A_374 : vector<1x16xi32> to vector<16xi32>
      %swap3A_376 = vector.shape_cast %add3A_370 : vector<16xi32> to vector<1x16xi32>
      tpu.vector_store %arg7[%swap3A_372, %swap3A_373], %swap3A_376 {strides = array<i32>} : memref<4x128xi32, #tpu.memory_space<vmem>>, vector<1x16xi32>,
      %get3A_377 = arith.constant 3 : i32
      %get3A_378 = arith.index_cast %get3A_377 : i32 to index
      %get3A_379 = arith.constant 64 : index
      %get3A_380 = tpu.vector_load %arg6[%get3A_378, %get3A_379] {strides = array<i32>} : memref<4x128xi32, #tpu.memory_space<vmem>>, vector<1x16xi32>,
      %get3A_381 = vector.shape_cast %get3A_380 : vector<1x16xi32> to vector<16xi32>
      %add3A_382 = vector.broadcast %mul3A_14 : i32 to vector<16xi32>
      %add3A_383 = arith.addi %get3A_381, %add3A_382 : vector<16xi32>
      %swap3A_384 = arith.constant 3 : i32
      %swap3A_385 = arith.index_cast %swap3A_384 : i32 to index
      %swap3A_386 = arith.constant 64 : index
      %swap3A_387 = tpu.vector_load %arg7[%swap3A_385, %swap3A_386] {strides = array<i32>} : memref<4x128xi32, #tpu.memory_space<vmem>>, vector<1x16xi32>,
      %swap3A_388 = vector.shape_cast %swap3A_387 : vector<1x16xi32> to vector<16xi32>
      %swap3A_389 = vector.shape_cast %add3A_383 : vector<16xi32> to vector<1x16xi32>
      tpu.vector_store %arg7[%swap3A_385, %swap3A_386], %swap3A_389 {strides = array<i32>} : memref<4x128xi32, #tpu.memory_space<vmem>>, vector<1x16xi32>,
      %get3A_390 = arith.constant 3 : i32
      %get3A_391 = arith.index_cast %get3A_390 : i32 to index
      %get3A_392 = arith.constant 80 : index
      %get3A_393 = tpu.vector_load %arg6[%get3A_391, %get3A_392] {strides = array<i32>} : memref<4x128xi32, #tpu.memory_space<vmem>>, vector<1x16xi32>,
      %get3A_394 = vector.shape_cast %get3A_393 : vector<1x16xi32> to vector<16xi32>
      %add3A_395 = vector.broadcast %mul3A_14 : i32 to vector<16xi32>
      %add3A_396 = arith.addi %get3A_394, %add3A_395 : vector<16xi32>
      %swap3A_397 = arith.constant 3 : i32
      %swap3A_398 = arith.index_cast %swap3A_397 : i32 to index
      %swap3A_399 = arith.constant 80 : index
      %swap3A_400 = tpu.vector_load %arg7[%swap3A_398, %swap3A_399] {strides = array<i32>} : memref<4x128xi32, #tpu.memory_space<vmem>>, vector<1x16xi32>,
      %swap3A_401 = vector.shape_cast %swap3A_400 : vector<1x16xi32> to vector<16xi32>
      %swap3A_402 = vector.shape_cast %add3A_396 : vector<16xi32> to vector<1x16xi32>
      tpu.vector_store %arg7[%swap3A_398, %swap3A_399], %swap3A_402 {strides = array<i32>} : memref<4x128xi32, #tpu.memory_space<vmem>>, vector<1x16xi32>,
      %get3A_403 = arith.constant 3 : i32
      %get3A_404 = arith.index_cast %get3A_403 : i32 to index
      %get3A_405 = arith.constant 96 : index
      %get3A_406 = tpu.vector_load %arg6[%get3A_404, %get3A_405] {strides = array<i32>} : memref<4x128xi32, #tpu.memory_space<vmem>>, vector<1x16xi32>,
      %get3A_407 = vector.shape_cast %get3A_406 : vector<1x16xi32> to vector<16xi32>
      %add3A_408 = vector.broadcast %mul3A_14 : i32 to vector<16xi32>
      %add3A_409 = arith.addi %get3A_407, %add3A_408 : vector<16xi32>
      %swap3A_410 = arith.constant 3 : i32
      %swap3A_411 = arith.index_cast %swap3A_410 : i32 to index
      %swap3A_412 = arith.constant 96 : index
      %swap3A_413 = tpu.vector_load %arg7[%swap3A_411, %swap3A_412] {strides = array<i32>} : memref<4x128xi32, #tpu.memory_space<vmem>>, vector<1x16xi32>,
      %swap3A_414 = vector.shape_cast %swap3A_413 : vector<1x16xi32> to vector<16xi32>
      %swap3A_415 = vector.shape_cast %add3A_409 : vector<16xi32> to vector<1x16xi32>
      tpu.vector_store %arg7[%swap3A_411, %swap3A_412], %swap3A_415 {strides = array<i32>} : memref<4x128xi32, #tpu.memory_space<vmem>>, vector<1x16xi32>,
      %get3A_416 = arith.constant 3 : i32
      %get3A_417 = arith.index_cast %get3A_416 : i32 to index
      %get3A_418 = arith.constant 112 : index
      %get3A_419 = tpu.vector_load %arg6[%get3A_417, %get3A_418] {strides = array<i32>} : memref<4x128xi32, #tpu.memory_space<vmem>>, vector<1x16xi32>,
      %get3A_420 = vector.shape_cast %get3A_419 : vector<1x16xi32> to vector<16xi32>
      %add3A_421 = vector.broadcast %mul3A_14 : i32 to vector<16xi32>
      %add3A_422 = arith.addi %get3A_420, %add3A_421 : vector<16xi32>
      %swap3A_423 = arith.constant 3 : i32
      %swap3A_424 = arith.index_cast %swap3A_423 : i32 to index
      %swap3A_425 = arith.constant 112 : index
      %swap3A_426 = tpu.vector_load %arg7[%swap3A_424, %swap3A_425] {strides = array<i32>} : memref<4x128xi32, #tpu.memory_space<vmem>>, vector<1x16xi32>,
      %swap3A_427 = vector.shape_cast %swap3A_426 : vector<1x16xi32> to vector<16xi32>
      %swap3A_428 = vector.shape_cast %add3A_422 : vector<16xi32> to vector<1x16xi32>
      tpu.vector_store %arg7[%swap3A_424, %swap3A_425], %swap3A_428 {strides = array<i32>} : memref<4x128xi32, #tpu.memory_space<vmem>>, vector<1x16xi32>,
      %run_scoped3A = arith.constant 0 : i32
      %run_scoped3A_429 = arith.constant 0 : i32
      "tpu.region"() ({
        %run_scoped3A_988 = tpu.sem_alloc : memref<!tpu.dma_semaphore, #tpu.memory_space<semaphore_mem>>
        %dma_start3A = arith.constant 0 : i32
        %dma_start3A_989 = tpu.memref_slice %arg9[%run_scoped3A_429, %dma_start3A] : memref<4x128xf32, #tpu.memory_space<vmem>> -> memref<1x128xf32, #tpu.memory_space<vmem>>
        %dma_start3A_990 = tpu.memref_squeeze %dma_start3A_989 : memref<1x128xf32, #tpu.memory_space<vmem>> -> memref<128xf32, #tpu.memory_space<vmem>>
        %dma_start3A_991 = arith.constant 0 : i32
        %dma_start3A_992 = tpu.memref_slice %arg7[%run_scoped3A, %dma_start3A_991] : memref<4x128xi32, #tpu.memory_space<vmem>> -> memref<1x128xi32, #tpu.memory_space<vmem>>
        %dma_start3A_993 = tpu.memref_squeeze %dma_start3A_992 : memref<1x128xi32, #tpu.memory_space<vmem>> -> memref<128xi32, #tpu.memory_space<vmem>>
        %dma_start3A_994 = arith.constant 0 : i32
        %dma_start3A_995 = tpu.memref_slice %arg2[%dma_start3A_994] : memref<25690112xf32, #tpu.memory_space<hbm>> -> memref<25690112xf32, #tpu.memory_space<hbm>>
        tpu.enqueue_indirect_dma source(%dma_start3A_995 : memref<25690112xf32, #tpu.memory_space<hbm>>) target(%dma_start3A_990 : memref<128xf32, #tpu.memory_space<vmem>>) offsets(%dma_start3A_993 : memref<128xi32, #tpu.memory_space<vmem>>) semaphore(%run_scoped3A_988 : memref<!tpu.dma_semaphore, #tpu.memory_space<semaphore_mem>>)
        %dma_wait3A = arith.constant 0 : i32
        %dma_wait3A_996 = tpu.memref_slice %arg9[%run_scoped3A_429, %dma_wait3A] : memref<4x128xf32, #tpu.memory_space<vmem>> -> memref<1x128xf32, #tpu.memory_space<vmem>>
        %dma_wait3A_997 = tpu.memref_squeeze %dma_wait3A_996 : memref<1x128xf32, #tpu.memory_space<vmem>> -> memref<128xf32, #tpu.memory_space<vmem>>
        %dma_wait3A_998 = arith.constant 0 : i32
        %dma_wait3A_999 = tpu.memref_slice %arg7[%run_scoped3A, %dma_wait3A_998] : memref<4x128xi32, #tpu.memory_space<vmem>> -> memref<1x128xi32, #tpu.memory_space<vmem>>
        %dma_wait3A_1000 = tpu.memref_squeeze %dma_wait3A_999 : memref<1x128xi32, #tpu.memory_space<vmem>> -> memref<128xi32, #tpu.memory_space<vmem>>
        %dma_wait3A_1001 = arith.constant 0 : i32
        %dma_wait3A_1002 = tpu.memref_slice %arg2[%dma_wait3A_1001] : memref<25690112xf32, #tpu.memory_space<hbm>> -> memref<25690112xf32, #tpu.memory_space<hbm>>
        tpu.wait_indirect_dma semaphore(%run_scoped3A_988 : memref<!tpu.dma_semaphore, #tpu.memory_space<semaphore_mem>>) src(%dma_wait3A_1002 : memref<25690112xf32, #tpu.memory_space<hbm>>) dst(%dma_wait3A_997 : memref<128xf32, #tpu.memory_space<vmem>>)
        tpu.yield
      }) : () -> ()
      %run_scoped3A_430 = arith.constant 1 : i32
      %run_scoped3A_431 = arith.constant 1 : i32
      "tpu.region"() ({
        %run_scoped3A_988 = tpu.sem_alloc : memref<!tpu.dma_semaphore, #tpu.memory_space<semaphore_mem>>
        %dma_start3A = arith.constant 0 : i32
        %dma_start3A_989 = tpu.memref_slice %arg9[%run_scoped3A_431, %dma_start3A] : memref<4x128xf32, #tpu.memory_space<vmem>> -> memref<1x128xf32, #tpu.memory_space<vmem>>
        %dma_start3A_990 = tpu.memref_squeeze %dma_start3A_989 : memref<1x128xf32, #tpu.memory_space<vmem>> -> memref<128xf32, #tpu.memory_space<vmem>>
        %dma_start3A_991 = arith.constant 0 : i32
        %dma_start3A_992 = tpu.memref_slice %arg7[%run_scoped3A_430, %dma_start3A_991] : memref<4x128xi32, #tpu.memory_space<vmem>> -> memref<1x128xi32, #tpu.memory_space<vmem>>
        %dma_start3A_993 = tpu.memref_squeeze %dma_start3A_992 : memref<1x128xi32, #tpu.memory_space<vmem>> -> memref<128xi32, #tpu.memory_space<vmem>>
        %dma_start3A_994 = arith.constant 0 : i32
        %dma_start3A_995 = tpu.memref_slice %arg2[%dma_start3A_994] : memref<25690112xf32, #tpu.memory_space<hbm>> -> memref<25690112xf32, #tpu.memory_space<hbm>>
        tpu.enqueue_indirect_dma source(%dma_start3A_995 : memref<25690112xf32, #tpu.memory_space<hbm>>) target(%dma_start3A_990 : memref<128xf32, #tpu.memory_space<vmem>>) offsets(%dma_start3A_993 : memref<128xi32, #tpu.memory_space<vmem>>) semaphore(%run_scoped3A_988 : memref<!tpu.dma_semaphore, #tpu.memory_space<semaphore_mem>>)
        %dma_wait3A = arith.constant 0 : i32
        %dma_wait3A_996 = tpu.memref_slice %arg9[%run_scoped3A_431, %dma_wait3A] : memref<4x128xf32, #tpu.memory_space<vmem>> -> memref<1x128xf32, #tpu.memory_space<vmem>>
        %dma_wait3A_997 = tpu.memref_squeeze %dma_wait3A_996 : memref<1x128xf32, #tpu.memory_space<vmem>> -> memref<128xf32, #tpu.memory_space<vmem>>
        %dma_wait3A_998 = arith.constant 0 : i32
        %dma_wait3A_999 = tpu.memref_slice %arg7[%run_scoped3A_430, %dma_wait3A_998] : memref<4x128xi32, #tpu.memory_space<vmem>> -> memref<1x128xi32, #tpu.memory_space<vmem>>
        %dma_wait3A_1000 = tpu.memref_squeeze %dma_wait3A_999 : memref<1x128xi32, #tpu.memory_space<vmem>> -> memref<128xi32, #tpu.memory_space<vmem>>
        %dma_wait3A_1001 = arith.constant 0 : i32
        %dma_wait3A_1002 = tpu.memref_slice %arg2[%dma_wait3A_1001] : memref<25690112xf32, #tpu.memory_space<hbm>> -> memref<25690112xf32, #tpu.memory_space<hbm>>
        tpu.wait_indirect_dma semaphore(%run_scoped3A_988 : memref<!tpu.dma_semaphore, #tpu.memory_space<semaphore_mem>>) src(%dma_wait3A_1002 : memref<25690112xf32, #tpu.memory_space<hbm>>) dst(%dma_wait3A_997 : memref<128xf32, #tpu.memory_space<vmem>>)
        tpu.yield
      }) : () -> ()
      %run_scoped3A_432 = arith.constant 2 : i32
      %run_scoped3A_433 = arith.constant 2 : i32
      "tpu.region"() ({
        %run_scoped3A_988 = tpu.sem_alloc : memref<!tpu.dma_semaphore, #tpu.memory_space<semaphore_mem>>
        %dma_start3A = arith.constant 0 : i32
        %dma_start3A_989 = tpu.memref_slice %arg9[%run_scoped3A_433, %dma_start3A] : memref<4x128xf32, #tpu.memory_space<vmem>> -> memref<1x128xf32, #tpu.memory_space<vmem>>
        %dma_start3A_990 = tpu.memref_squeeze %dma_start3A_989 : memref<1x128xf32, #tpu.memory_space<vmem>> -> memref<128xf32, #tpu.memory_space<vmem>>
        %dma_start3A_991 = arith.constant 0 : i32
        %dma_start3A_992 = tpu.memref_slice %arg7[%run_scoped3A_432, %dma_start3A_991] : memref<4x128xi32, #tpu.memory_space<vmem>> -> memref<1x128xi32, #tpu.memory_space<vmem>>
        %dma_start3A_993 = tpu.memref_squeeze %dma_start3A_992 : memref<1x128xi32, #tpu.memory_space<vmem>> -> memref<128xi32, #tpu.memory_space<vmem>>
        %dma_start3A_994 = arith.constant 0 : i32
        %dma_start3A_995 = tpu.memref_slice %arg2[%dma_start3A_994] : memref<25690112xf32, #tpu.memory_space<hbm>> -> memref<25690112xf32, #tpu.memory_space<hbm>>
        tpu.enqueue_indirect_dma source(%dma_start3A_995 : memref<25690112xf32, #tpu.memory_space<hbm>>) target(%dma_start3A_990 : memref<128xf32, #tpu.memory_space<vmem>>) offsets(%dma_start3A_993 : memref<128xi32, #tpu.memory_space<vmem>>) semaphore(%run_scoped3A_988 : memref<!tpu.dma_semaphore, #tpu.memory_space<semaphore_mem>>)
        %dma_wait3A = arith.constant 0 : i32
        %dma_wait3A_996 = tpu.memref_slice %arg9[%run_scoped3A_433, %dma_wait3A] : memref<4x128xf32, #tpu.memory_space<vmem>> -> memref<1x128xf32, #tpu.memory_space<vmem>>
        %dma_wait3A_997 = tpu.memref_squeeze %dma_wait3A_996 : memref<1x128xf32, #tpu.memory_space<vmem>> -> memref<128xf32, #tpu.memory_space<vmem>>
        %dma_wait3A_998 = arith.constant 0 : i32
        %dma_wait3A_999 = tpu.memref_slice %arg7[%run_scoped3A_432, %dma_wait3A_998] : memref<4x128xi32, #tpu.memory_space<vmem>> -> memref<1x128xi32, #tpu.memory_space<vmem>>
        %dma_wait3A_1000 = tpu.memref_squeeze %dma_wait3A_999 : memref<1x128xi32, #tpu.memory_space<vmem>> -> memref<128xi32, #tpu.memory_space<vmem>>
        %dma_wait3A_1001 = arith.constant 0 : i32
        %dma_wait3A_1002 = tpu.memref_slice %arg2[%dma_wait3A_1001] : memref<25690112xf32, #tpu.memory_space<hbm>> -> memref<25690112xf32, #tpu.memory_space<hbm>>
        tpu.wait_indirect_dma semaphore(%run_scoped3A_988 : memref<!tpu.dma_semaphore, #tpu.memory_space<semaphore_mem>>) src(%dma_wait3A_1002 : memref<25690112xf32, #tpu.memory_space<hbm>>) dst(%dma_wait3A_997 : memref<128xf32, #tpu.memory_space<vmem>>)
        tpu.yield
      }) : () -> ()
      %run_scoped3A_434 = arith.constant 3 : i32
      %run_scoped3A_435 = arith.constant 3 : i32
      "tpu.region"() ({
        %run_scoped3A_988 = tpu.sem_alloc : memref<!tpu.dma_semaphore, #tpu.memory_space<semaphore_mem>>
        %dma_start3A = arith.constant 0 : i32
        %dma_start3A_989 = tpu.memref_slice %arg9[%run_scoped3A_435, %dma_start3A] : memref<4x128xf32, #tpu.memory_space<vmem>> -> memref<1x128xf32, #tpu.memory_space<vmem>>
        %dma_start3A_990 = tpu.memref_squeeze %dma_start3A_989 : memref<1x128xf32, #tpu.memory_space<vmem>> -> memref<128xf32, #tpu.memory_space<vmem>>
        %dma_start3A_991 = arith.constant 0 : i32
        %dma_start3A_992 = tpu.memref_slice %arg7[%run_scoped3A_434, %dma_start3A_991] : memref<4x128xi32, #tpu.memory_space<vmem>> -> memref<1x128xi32, #tpu.memory_space<vmem>>
        %dma_start3A_993 = tpu.memref_squeeze %dma_start3A_992 : memref<1x128xi32, #tpu.memory_space<vmem>> -> memref<128xi32, #tpu.memory_space<vmem>>
        %dma_start3A_994 = arith.constant 0 : i32
        %dma_start3A_995 = tpu.memref_slice %arg2[%dma_start3A_994] : memref<25690112xf32, #tpu.memory_space<hbm>> -> memref<25690112xf32, #tpu.memory_space<hbm>>
        tpu.enqueue_indirect_dma source(%dma_start3A_995 : memref<25690112xf32, #tpu.memory_space<hbm>>) target(%dma_start3A_990 : memref<128xf32, #tpu.memory_space<vmem>>) offsets(%dma_start3A_993 : memref<128xi32, #tpu.memory_space<vmem>>) semaphore(%run_scoped3A_988 : memref<!tpu.dma_semaphore, #tpu.memory_space<semaphore_mem>>)
        %dma_wait3A = arith.constant 0 : i32
        %dma_wait3A_996 = tpu.memref_slice %arg9[%run_scoped3A_435, %dma_wait3A] : memref<4x128xf32, #tpu.memory_space<vmem>> -> memref<1x128xf32, #tpu.memory_space<vmem>>
        %dma_wait3A_997 = tpu.memref_squeeze %dma_wait3A_996 : memref<1x128xf32, #tpu.memory_space<vmem>> -> memref<128xf32, #tpu.memory_space<vmem>>
        %dma_wait3A_998 = arith.constant 0 : i32
        %dma_wait3A_999 = tpu.memref_slice %arg7[%run_scoped3A_434, %dma_wait3A_998] : memref<4x128xi32, #tpu.memory_space<vmem>> -> memref<1x128xi32, #tpu.memory_space<vmem>>
        %dma_wait3A_1000 = tpu.memref_squeeze %dma_wait3A_999 : memref<1x128xi32, #tpu.memory_space<vmem>> -> memref<128xi32, #tpu.memory_space<vmem>>
        %dma_wait3A_1001 = arith.constant 0 : i32
        %dma_wait3A_1002 = tpu.memref_slice %arg2[%dma_wait3A_1001] : memref<25690112xf32, #tpu.memory_space<hbm>> -> memref<25690112xf32, #tpu.memory_space<hbm>>
        tpu.wait_indirect_dma semaphore(%run_scoped3A_988 : memref<!tpu.dma_semaphore, #tpu.memory_space<semaphore_mem>>) src(%dma_wait3A_1002 : memref<25690112xf32, #tpu.memory_space<hbm>>) dst(%dma_wait3A_997 : memref<128xf32, #tpu.memory_space<vmem>>)
        tpu.yield
      }) : () -> ()
      %get3A_436 = arith.constant 0 : i32
      %get3A_437 = arith.index_cast %get3A_436 : i32 to index
      %get3A_438 = arith.constant 0 : index
      %get3A_439 = tpu.vector_load %arg9[%get3A_437, %get3A_438] {strides = array<i32>} : memref<4x128xf32, #tpu.memory_space<vmem>>, vector<1x16xf32>,
      %get3A_440 = vector.shape_cast %get3A_439 : vector<1x16xf32> to vector<16xf32>
      %get3A_441 = arith.constant 0 : i32
      %get3A_442 = arith.index_cast %get3A_441 : i32 to index
      %get3A_443 = arith.constant 0 : index
      %get3A_444 = tpu.vector_load %arg8[%get3A_442, %get3A_443] {strides = array<i32>} : memref<4x128xf32, #tpu.memory_space<vmem>>, vector<1x16xf32>,
      %get3A_445 = vector.shape_cast %get3A_444 : vector<1x16xf32> to vector<16xf32>
      %add3A_446 = arith.addf %get3A_440, %get3A_445 : vector<16xf32>
      %swap3A_447 = arith.constant 0 : i32
      %swap3A_448 = arith.index_cast %swap3A_447 : i32 to index
      %swap3A_449 = arith.constant 0 : index
      %swap3A_450 = tpu.vector_load %arg9[%swap3A_448, %swap3A_449] {strides = array<i32>} : memref<4x128xf32, #tpu.memory_space<vmem>>, vector<1x16xf32>,
      %swap3A_451 = vector.shape_cast %swap3A_450 : vector<1x16xf32> to vector<16xf32>
      %swap3A_452 = vector.shape_cast %add3A_446 : vector<16xf32> to vector<1x16xf32>
      tpu.vector_store %arg9[%swap3A_448, %swap3A_449], %swap3A_452 {strides = array<i32>} : memref<4x128xf32, #tpu.memory_space<vmem>>, vector<1x16xf32>,
      %get3A_453 = arith.constant 0 : i32
      %get3A_454 = arith.index_cast %get3A_453 : i32 to index
      %get3A_455 = arith.constant 16 : index
      %get3A_456 = tpu.vector_load %arg9[%get3A_454, %get3A_455] {strides = array<i32>} : memref<4x128xf32, #tpu.memory_space<vmem>>, vector<1x16xf32>,
      %get3A_457 = vector.shape_cast %get3A_456 : vector<1x16xf32> to vector<16xf32>
      %get3A_458 = arith.constant 0 : i32
      %get3A_459 = arith.index_cast %get3A_458 : i32 to index
      %get3A_460 = arith.constant 16 : index
      %get3A_461 = tpu.vector_load %arg8[%get3A_459, %get3A_460] {strides = array<i32>} : memref<4x128xf32, #tpu.memory_space<vmem>>, vector<1x16xf32>,
      %get3A_462 = vector.shape_cast %get3A_461 : vector<1x16xf32> to vector<16xf32>
      %add3A_463 = arith.addf %get3A_457, %get3A_462 : vector<16xf32>
      %swap3A_464 = arith.constant 0 : i32
      %swap3A_465 = arith.index_cast %swap3A_464 : i32 to index
      %swap3A_466 = arith.constant 16 : index
      %swap3A_467 = tpu.vector_load %arg9[%swap3A_465, %swap3A_466] {strides = array<i32>} : memref<4x128xf32, #tpu.memory_space<vmem>>, vector<1x16xf32>,
      %swap3A_468 = vector.shape_cast %swap3A_467 : vector<1x16xf32> to vector<16xf32>
      %swap3A_469 = vector.shape_cast %add3A_463 : vector<16xf32> to vector<1x16xf32>
      tpu.vector_store %arg9[%swap3A_465, %swap3A_466], %swap3A_469 {strides = array<i32>} : memref<4x128xf32, #tpu.memory_space<vmem>>, vector<1x16xf32>,
      %get3A_470 = arith.constant 0 : i32
      %get3A_471 = arith.index_cast %get3A_470 : i32 to index
      %get3A_472 = arith.constant 32 : index
      %get3A_473 = tpu.vector_load %arg9[%get3A_471, %get3A_472] {strides = array<i32>} : memref<4x128xf32, #tpu.memory_space<vmem>>, vector<1x16xf32>,
      %get3A_474 = vector.shape_cast %get3A_473 : vector<1x16xf32> to vector<16xf32>
      %get3A_475 = arith.constant 0 : i32
      %get3A_476 = arith.index_cast %get3A_475 : i32 to index
      %get3A_477 = arith.constant 32 : index
      %get3A_478 = tpu.vector_load %arg8[%get3A_476, %get3A_477] {strides = array<i32>} : memref<4x128xf32, #tpu.memory_space<vmem>>, vector<1x16xf32>,
      %get3A_479 = vector.shape_cast %get3A_478 : vector<1x16xf32> to vector<16xf32>
      %add3A_480 = arith.addf %get3A_474, %get3A_479 : vector<16xf32>
      %swap3A_481 = arith.constant 0 : i32
      %swap3A_482 = arith.index_cast %swap3A_481 : i32 to index
      %swap3A_483 = arith.constant 32 : index
      %swap3A_484 = tpu.vector_load %arg9[%swap3A_482, %swap3A_483] {strides = array<i32>} : memref<4x128xf32, #tpu.memory_space<vmem>>, vector<1x16xf32>,
      %swap3A_485 = vector.shape_cast %swap3A_484 : vector<1x16xf32> to vector<16xf32>
      %swap3A_486 = vector.shape_cast %add3A_480 : vector<16xf32> to vector<1x16xf32>
      tpu.vector_store %arg9[%swap3A_482, %swap3A_483], %swap3A_486 {strides = array<i32>} : memref<4x128xf32, #tpu.memory_space<vmem>>, vector<1x16xf32>,
      %get3A_487 = arith.constant 0 : i32
      %get3A_488 = arith.index_cast %get3A_487 : i32 to index
      %get3A_489 = arith.constant 48 : index
      %get3A_490 = tpu.vector_load %arg9[%get3A_488, %get3A_489] {strides = array<i32>} : memref<4x128xf32, #tpu.memory_space<vmem>>, vector<1x16xf32>,
      %get3A_491 = vector.shape_cast %get3A_490 : vector<1x16xf32> to vector<16xf32>
      %get3A_492 = arith.constant 0 : i32
      %get3A_493 = arith.index_cast %get3A_492 : i32 to index
      %get3A_494 = arith.constant 48 : index
      %get3A_495 = tpu.vector_load %arg8[%get3A_493, %get3A_494] {strides = array<i32>} : memref<4x128xf32, #tpu.memory_space<vmem>>, vector<1x16xf32>,
      %get3A_496 = vector.shape_cast %get3A_495 : vector<1x16xf32> to vector<16xf32>
      %add3A_497 = arith.addf %get3A_491, %get3A_496 : vector<16xf32>
      %swap3A_498 = arith.constant 0 : i32
      %swap3A_499 = arith.index_cast %swap3A_498 : i32 to index
      %swap3A_500 = arith.constant 48 : index
      %swap3A_501 = tpu.vector_load %arg9[%swap3A_499, %swap3A_500] {strides = array<i32>} : memref<4x128xf32, #tpu.memory_space<vmem>>, vector<1x16xf32>,
      %swap3A_502 = vector.shape_cast %swap3A_501 : vector<1x16xf32> to vector<16xf32>
      %swap3A_503 = vector.shape_cast %add3A_497 : vector<16xf32> to vector<1x16xf32>
      tpu.vector_store %arg9[%swap3A_499, %swap3A_500], %swap3A_503 {strides = array<i32>} : memref<4x128xf32, #tpu.memory_space<vmem>>, vector<1x16xf32>,
      %get3A_504 = arith.constant 0 : i32
      %get3A_505 = arith.index_cast %get3A_504 : i32 to index
      %get3A_506 = arith.constant 64 : index
      %get3A_507 = tpu.vector_load %arg9[%get3A_505, %get3A_506] {strides = array<i32>} : memref<4x128xf32, #tpu.memory_space<vmem>>, vector<1x16xf32>,
      %get3A_508 = vector.shape_cast %get3A_507 : vector<1x16xf32> to vector<16xf32>
      %get3A_509 = arith.constant 0 : i32
      %get3A_510 = arith.index_cast %get3A_509 : i32 to index
      %get3A_511 = arith.constant 64 : index
      %get3A_512 = tpu.vector_load %arg8[%get3A_510, %get3A_511] {strides = array<i32>} : memref<4x128xf32, #tpu.memory_space<vmem>>, vector<1x16xf32>,
      %get3A_513 = vector.shape_cast %get3A_512 : vector<1x16xf32> to vector<16xf32>
      %add3A_514 = arith.addf %get3A_508, %get3A_513 : vector<16xf32>
      %swap3A_515 = arith.constant 0 : i32
      %swap3A_516 = arith.index_cast %swap3A_515 : i32 to index
      %swap3A_517 = arith.constant 64 : index
      %swap3A_518 = tpu.vector_load %arg9[%swap3A_516, %swap3A_517] {strides = array<i32>} : memref<4x128xf32, #tpu.memory_space<vmem>>, vector<1x16xf32>,
      %swap3A_519 = vector.shape_cast %swap3A_518 : vector<1x16xf32> to vector<16xf32>
      %swap3A_520 = vector.shape_cast %add3A_514 : vector<16xf32> to vector<1x16xf32>
      tpu.vector_store %arg9[%swap3A_516, %swap3A_517], %swap3A_520 {strides = array<i32>} : memref<4x128xf32, #tpu.memory_space<vmem>>, vector<1x16xf32>,
      %get3A_521 = arith.constant 0 : i32
      %get3A_522 = arith.index_cast %get3A_521 : i32 to index
      %get3A_523 = arith.constant 80 : index
      %get3A_524 = tpu.vector_load %arg9[%get3A_522, %get3A_523] {strides = array<i32>} : memref<4x128xf32, #tpu.memory_space<vmem>>, vector<1x16xf32>,
      %get3A_525 = vector.shape_cast %get3A_524 : vector<1x16xf32> to vector<16xf32>
      %get3A_526 = arith.constant 0 : i32
      %get3A_527 = arith.index_cast %get3A_526 : i32 to index
      %get3A_528 = arith.constant 80 : index
      %get3A_529 = tpu.vector_load %arg8[%get3A_527, %get3A_528] {strides = array<i32>} : memref<4x128xf32, #tpu.memory_space<vmem>>, vector<1x16xf32>,
      %get3A_530 = vector.shape_cast %get3A_529 : vector<1x16xf32> to vector<16xf32>
      %add3A_531 = arith.addf %get3A_525, %get3A_530 : vector<16xf32>
      %swap3A_532 = arith.constant 0 : i32
      %swap3A_533 = arith.index_cast %swap3A_532 : i32 to index
      %swap3A_534 = arith.constant 80 : index
      %swap3A_535 = tpu.vector_load %arg9[%swap3A_533, %swap3A_534] {strides = array<i32>} : memref<4x128xf32, #tpu.memory_space<vmem>>, vector<1x16xf32>,
      %swap3A_536 = vector.shape_cast %swap3A_535 : vector<1x16xf32> to vector<16xf32>
      %swap3A_537 = vector.shape_cast %add3A_531 : vector<16xf32> to vector<1x16xf32>
      tpu.vector_store %arg9[%swap3A_533, %swap3A_534], %swap3A_537 {strides = array<i32>} : memref<4x128xf32, #tpu.memory_space<vmem>>, vector<1x16xf32>,
      %get3A_538 = arith.constant 0 : i32
      %get3A_539 = arith.index_cast %get3A_538 : i32 to index
      %get3A_540 = arith.constant 96 : index
      %get3A_541 = tpu.vector_load %arg9[%get3A_539, %get3A_540] {strides = array<i32>} : memref<4x128xf32, #tpu.memory_space<vmem>>, vector<1x16xf32>,
      %get3A_542 = vector.shape_cast %get3A_541 : vector<1x16xf32> to vector<16xf32>
      %get3A_543 = arith.constant 0 : i32
      %get3A_544 = arith.index_cast %get3A_543 : i32 to index
      %get3A_545 = arith.constant 96 : index
      %get3A_546 = tpu.vector_load %arg8[%get3A_544, %get3A_545] {strides = array<i32>} : memref<4x128xf32, #tpu.memory_space<vmem>>, vector<1x16xf32>,
      %get3A_547 = vector.shape_cast %get3A_546 : vector<1x16xf32> to vector<16xf32>
      %add3A_548 = arith.addf %get3A_542, %get3A_547 : vector<16xf32>
      %swap3A_549 = arith.constant 0 : i32
      %swap3A_550 = arith.index_cast %swap3A_549 : i32 to index
      %swap3A_551 = arith.constant 96 : index
      %swap3A_552 = tpu.vector_load %arg9[%swap3A_550, %swap3A_551] {strides = array<i32>} : memref<4x128xf32, #tpu.memory_space<vmem>>, vector<1x16xf32>,
      %swap3A_553 = vector.shape_cast %swap3A_552 : vector<1x16xf32> to vector<16xf32>
      %swap3A_554 = vector.shape_cast %add3A_548 : vector<16xf32> to vector<1x16xf32>
      tpu.vector_store %arg9[%swap3A_550, %swap3A_551], %swap3A_554 {strides = array<i32>} : memref<4x128xf32, #tpu.memory_space<vmem>>, vector<1x16xf32>,
      %get3A_555 = arith.constant 0 : i32
      %get3A_556 = arith.index_cast %get3A_555 : i32 to index
      %get3A_557 = arith.constant 112 : index
      %get3A_558 = tpu.vector_load %arg9[%get3A_556, %get3A_557] {strides = array<i32>} : memref<4x128xf32, #tpu.memory_space<vmem>>, vector<1x16xf32>,
      %get3A_559 = vector.shape_cast %get3A_558 : vector<1x16xf32> to vector<16xf32>
      %get3A_560 = arith.constant 0 : i32
      %get3A_561 = arith.index_cast %get3A_560 : i32 to index
      %get3A_562 = arith.constant 112 : index
      %get3A_563 = tpu.vector_load %arg8[%get3A_561, %get3A_562] {strides = array<i32>} : memref<4x128xf32, #tpu.memory_space<vmem>>, vector<1x16xf32>,
      %get3A_564 = vector.shape_cast %get3A_563 : vector<1x16xf32> to vector<16xf32>
      %add3A_565 = arith.addf %get3A_559, %get3A_564 : vector<16xf32>
      %swap3A_566 = arith.constant 0 : i32
      %swap3A_567 = arith.index_cast %swap3A_566 : i32 to index
      %swap3A_568 = arith.constant 112 : index
      %swap3A_569 = tpu.vector_load %arg9[%swap3A_567, %swap3A_568] {strides = array<i32>} : memref<4x128xf32, #tpu.memory_space<vmem>>, vector<1x16xf32>,
      %swap3A_570 = vector.shape_cast %swap3A_569 : vector<1x16xf32> to vector<16xf32>
      %swap3A_571 = vector.shape_cast %add3A_565 : vector<16xf32> to vector<1x16xf32>
      tpu.vector_store %arg9[%swap3A_567, %swap3A_568], %swap3A_571 {strides = array<i32>} : memref<4x128xf32, #tpu.memory_space<vmem>>, vector<1x16xf32>,
      %get3A_572 = arith.constant 1 : i32
      %get3A_573 = arith.index_cast %get3A_572 : i32 to index
      %get3A_574 = arith.constant 0 : index
      %get3A_575 = tpu.vector_load %arg9[%get3A_573, %get3A_574] {strides = array<i32>} : memref<4x128xf32, #tpu.memory_space<vmem>>, vector<1x16xf32>,
      %get3A_576 = vector.shape_cast %get3A_575 : vector<1x16xf32> to vector<16xf32>
      %get3A_577 = arith.constant 1 : i32
      %get3A_578 = arith.index_cast %get3A_577 : i32 to index
      %get3A_579 = arith.constant 0 : index
      %get3A_580 = tpu.vector_load %arg8[%get3A_578, %get3A_579] {strides = array<i32>} : memref<4x128xf32, #tpu.memory_space<vmem>>, vector<1x16xf32>,
      %get3A_581 = vector.shape_cast %get3A_580 : vector<1x16xf32> to vector<16xf32>
      %add3A_582 = arith.addf %get3A_576, %get3A_581 : vector<16xf32>
      %swap3A_583 = arith.constant 1 : i32
      %swap3A_584 = arith.index_cast %swap3A_583 : i32 to index
      %swap3A_585 = arith.constant 0 : index
      %swap3A_586 = tpu.vector_load %arg9[%swap3A_584, %swap3A_585] {strides = array<i32>} : memref<4x128xf32, #tpu.memory_space<vmem>>, vector<1x16xf32>,
      %swap3A_587 = vector.shape_cast %swap3A_586 : vector<1x16xf32> to vector<16xf32>
      %swap3A_588 = vector.shape_cast %add3A_582 : vector<16xf32> to vector<1x16xf32>
      tpu.vector_store %arg9[%swap3A_584, %swap3A_585], %swap3A_588 {strides = array<i32>} : memref<4x128xf32, #tpu.memory_space<vmem>>, vector<1x16xf32>,
      %get3A_589 = arith.constant 1 : i32
      %get3A_590 = arith.index_cast %get3A_589 : i32 to index
      %get3A_591 = arith.constant 16 : index
      %get3A_592 = tpu.vector_load %arg9[%get3A_590, %get3A_591] {strides = array<i32>} : memref<4x128xf32, #tpu.memory_space<vmem>>, vector<1x16xf32>,
      %get3A_593 = vector.shape_cast %get3A_592 : vector<1x16xf32> to vector<16xf32>
      %get3A_594 = arith.constant 1 : i32
      %get3A_595 = arith.index_cast %get3A_594 : i32 to index
      %get3A_596 = arith.constant 16 : index
      %get3A_597 = tpu.vector_load %arg8[%get3A_595, %get3A_596] {strides = array<i32>} : memref<4x128xf32, #tpu.memory_space<vmem>>, vector<1x16xf32>,
      %get3A_598 = vector.shape_cast %get3A_597 : vector<1x16xf32> to vector<16xf32>
      %add3A_599 = arith.addf %get3A_593, %get3A_598 : vector<16xf32>
      %swap3A_600 = arith.constant 1 : i32
      %swap3A_601 = arith.index_cast %swap3A_600 : i32 to index
      %swap3A_602 = arith.constant 16 : index
      %swap3A_603 = tpu.vector_load %arg9[%swap3A_601, %swap3A_602] {strides = array<i32>} : memref<4x128xf32, #tpu.memory_space<vmem>>, vector<1x16xf32>,
      %swap3A_604 = vector.shape_cast %swap3A_603 : vector<1x16xf32> to vector<16xf32>
      %swap3A_605 = vector.shape_cast %add3A_599 : vector<16xf32> to vector<1x16xf32>
      tpu.vector_store %arg9[%swap3A_601, %swap3A_602], %swap3A_605 {strides = array<i32>} : memref<4x128xf32, #tpu.memory_space<vmem>>, vector<1x16xf32>,
      %get3A_606 = arith.constant 1 : i32
      %get3A_607 = arith.index_cast %get3A_606 : i32 to index
      %get3A_608 = arith.constant 32 : index
      %get3A_609 = tpu.vector_load %arg9[%get3A_607, %get3A_608] {strides = array<i32>} : memref<4x128xf32, #tpu.memory_space<vmem>>, vector<1x16xf32>,
      %get3A_610 = vector.shape_cast %get3A_609 : vector<1x16xf32> to vector<16xf32>
      %get3A_611 = arith.constant 1 : i32
      %get3A_612 = arith.index_cast %get3A_611 : i32 to index
      %get3A_613 = arith.constant 32 : index
      %get3A_614 = tpu.vector_load %arg8[%get3A_612, %get3A_613] {strides = array<i32>} : memref<4x128xf32, #tpu.memory_space<vmem>>, vector<1x16xf32>,
      %get3A_615 = vector.shape_cast %get3A_614 : vector<1x16xf32> to vector<16xf32>
      %add3A_616 = arith.addf %get3A_610, %get3A_615 : vector<16xf32>
      %swap3A_617 = arith.constant 1 : i32
      %swap3A_618 = arith.index_cast %swap3A_617 : i32 to index
      %swap3A_619 = arith.constant 32 : index
      %swap3A_620 = tpu.vector_load %arg9[%swap3A_618, %swap3A_619] {strides = array<i32>} : memref<4x128xf32, #tpu.memory_space<vmem>>, vector<1x16xf32>,
      %swap3A_621 = vector.shape_cast %swap3A_620 : vector<1x16xf32> to vector<16xf32>
      %swap3A_622 = vector.shape_cast %add3A_616 : vector<16xf32> to vector<1x16xf32>
      tpu.vector_store %arg9[%swap3A_618, %swap3A_619], %swap3A_622 {strides = array<i32>} : memref<4x128xf32, #tpu.memory_space<vmem>>, vector<1x16xf32>,
      %get3A_623 = arith.constant 1 : i32
      %get3A_624 = arith.index_cast %get3A_623 : i32 to index
      %get3A_625 = arith.constant 48 : index
      %get3A_626 = tpu.vector_load %arg9[%get3A_624, %get3A_625] {strides = array<i32>} : memref<4x128xf32, #tpu.memory_space<vmem>>, vector<1x16xf32>,
      %get3A_627 = vector.shape_cast %get3A_626 : vector<1x16xf32> to vector<16xf32>
      %get3A_628 = arith.constant 1 : i32
      %get3A_629 = arith.index_cast %get3A_628 : i32 to index
      %get3A_630 = arith.constant 48 : index
      %get3A_631 = tpu.vector_load %arg8[%get3A_629, %get3A_630] {strides = array<i32>} : memref<4x128xf32, #tpu.memory_space<vmem>>, vector<1x16xf32>,
      %get3A_632 = vector.shape_cast %get3A_631 : vector<1x16xf32> to vector<16xf32>
      %add3A_633 = arith.addf %get3A_627, %get3A_632 : vector<16xf32>
      %swap3A_634 = arith.constant 1 : i32
      %swap3A_635 = arith.index_cast %swap3A_634 : i32 to index
      %swap3A_636 = arith.constant 48 : index
      %swap3A_637 = tpu.vector_load %arg9[%swap3A_635, %swap3A_636] {strides = array<i32>} : memref<4x128xf32, #tpu.memory_space<vmem>>, vector<1x16xf32>,
      %swap3A_638 = vector.shape_cast %swap3A_637 : vector<1x16xf32> to vector<16xf32>
      %swap3A_639 = vector.shape_cast %add3A_633 : vector<16xf32> to vector<1x16xf32>
      tpu.vector_store %arg9[%swap3A_635, %swap3A_636], %swap3A_639 {strides = array<i32>} : memref<4x128xf32, #tpu.memory_space<vmem>>, vector<1x16xf32>,
      %get3A_640 = arith.constant 1 : i32
      %get3A_641 = arith.index_cast %get3A_640 : i32 to index
      %get3A_642 = arith.constant 64 : index
      %get3A_643 = tpu.vector_load %arg9[%get3A_641, %get3A_642] {strides = array<i32>} : memref<4x128xf32, #tpu.memory_space<vmem>>, vector<1x16xf32>,
      %get3A_644 = vector.shape_cast %get3A_643 : vector<1x16xf32> to vector<16xf32>
      %get3A_645 = arith.constant 1 : i32
      %get3A_646 = arith.index_cast %get3A_645 : i32 to index
      %get3A_647 = arith.constant 64 : index
      %get3A_648 = tpu.vector_load %arg8[%get3A_646, %get3A_647] {strides = array<i32>} : memref<4x128xf32, #tpu.memory_space<vmem>>, vector<1x16xf32>,
      %get3A_649 = vector.shape_cast %get3A_648 : vector<1x16xf32> to vector<16xf32>
      %add3A_650 = arith.addf %get3A_644, %get3A_649 : vector<16xf32>
      %swap3A_651 = arith.constant 1 : i32
      %swap3A_652 = arith.index_cast %swap3A_651 : i32 to index
      %swap3A_653 = arith.constant 64 : index
      %swap3A_654 = tpu.vector_load %arg9[%swap3A_652, %swap3A_653] {strides = array<i32>} : memref<4x128xf32, #tpu.memory_space<vmem>>, vector<1x16xf32>,
      %swap3A_655 = vector.shape_cast %swap3A_654 : vector<1x16xf32> to vector<16xf32>
      %swap3A_656 = vector.shape_cast %add3A_650 : vector<16xf32> to vector<1x16xf32>
      tpu.vector_store %arg9[%swap3A_652, %swap3A_653], %swap3A_656 {strides = array<i32>} : memref<4x128xf32, #tpu.memory_space<vmem>>, vector<1x16xf32>,
      %get3A_657 = arith.constant 1 : i32
      %get3A_658 = arith.index_cast %get3A_657 : i32 to index
      %get3A_659 = arith.constant 80 : index
      %get3A_660 = tpu.vector_load %arg9[%get3A_658, %get3A_659] {strides = array<i32>} : memref<4x128xf32, #tpu.memory_space<vmem>>, vector<1x16xf32>,
      %get3A_661 = vector.shape_cast %get3A_660 : vector<1x16xf32> to vector<16xf32>
      %get3A_662 = arith.constant 1 : i32
      %get3A_663 = arith.index_cast %get3A_662 : i32 to index
      %get3A_664 = arith.constant 80 : index
      %get3A_665 = tpu.vector_load %arg8[%get3A_663, %get3A_664] {strides = array<i32>} : memref<4x128xf32, #tpu.memory_space<vmem>>, vector<1x16xf32>,
      %get3A_666 = vector.shape_cast %get3A_665 : vector<1x16xf32> to vector<16xf32>
      %add3A_667 = arith.addf %get3A_661, %get3A_666 : vector<16xf32>
      %swap3A_668 = arith.constant 1 : i32
      %swap3A_669 = arith.index_cast %swap3A_668 : i32 to index
      %swap3A_670 = arith.constant 80 : index
      %swap3A_671 = tpu.vector_load %arg9[%swap3A_669, %swap3A_670] {strides = array<i32>} : memref<4x128xf32, #tpu.memory_space<vmem>>, vector<1x16xf32>,
      %swap3A_672 = vector.shape_cast %swap3A_671 : vector<1x16xf32> to vector<16xf32>
      %swap3A_673 = vector.shape_cast %add3A_667 : vector<16xf32> to vector<1x16xf32>
      tpu.vector_store %arg9[%swap3A_669, %swap3A_670], %swap3A_673 {strides = array<i32>} : memref<4x128xf32, #tpu.memory_space<vmem>>, vector<1x16xf32>,
      %get3A_674 = arith.constant 1 : i32
      %get3A_675 = arith.index_cast %get3A_674 : i32 to index
      %get3A_676 = arith.constant 96 : index
      %get3A_677 = tpu.vector_load %arg9[%get3A_675, %get3A_676] {strides = array<i32>} : memref<4x128xf32, #tpu.memory_space<vmem>>, vector<1x16xf32>,
      %get3A_678 = vector.shape_cast %get3A_677 : vector<1x16xf32> to vector<16xf32>
      %get3A_679 = arith.constant 1 : i32
      %get3A_680 = arith.index_cast %get3A_679 : i32 to index
      %get3A_681 = arith.constant 96 : index
      %get3A_682 = tpu.vector_load %arg8[%get3A_680, %get3A_681] {strides = array<i32>} : memref<4x128xf32, #tpu.memory_space<vmem>>, vector<1x16xf32>,
      %get3A_683 = vector.shape_cast %get3A_682 : vector<1x16xf32> to vector<16xf32>
      %add3A_684 = arith.addf %get3A_678, %get3A_683 : vector<16xf32>
      %swap3A_685 = arith.constant 1 : i32
      %swap3A_686 = arith.index_cast %swap3A_685 : i32 to index
      %swap3A_687 = arith.constant 96 : index
      %swap3A_688 = tpu.vector_load %arg9[%swap3A_686, %swap3A_687] {strides = array<i32>} : memref<4x128xf32, #tpu.memory_space<vmem>>, vector<1x16xf32>,
      %swap3A_689 = vector.shape_cast %swap3A_688 : vector<1x16xf32> to vector<16xf32>
      %swap3A_690 = vector.shape_cast %add3A_684 : vector<16xf32> to vector<1x16xf32>
      tpu.vector_store %arg9[%swap3A_686, %swap3A_687], %swap3A_690 {strides = array<i32>} : memref<4x128xf32, #tpu.memory_space<vmem>>, vector<1x16xf32>,
      %get3A_691 = arith.constant 1 : i32
      %get3A_692 = arith.index_cast %get3A_691 : i32 to index
      %get3A_693 = arith.constant 112 : index
      %get3A_694 = tpu.vector_load %arg9[%get3A_692, %get3A_693] {strides = array<i32>} : memref<4x128xf32, #tpu.memory_space<vmem>>, vector<1x16xf32>,
      %get3A_695 = vector.shape_cast %get3A_694 : vector<1x16xf32> to vector<16xf32>
      %get3A_696 = arith.constant 1 : i32
      %get3A_697 = arith.index_cast %get3A_696 : i32 to index
      %get3A_698 = arith.constant 112 : index
      %get3A_699 = tpu.vector_load %arg8[%get3A_697, %get3A_698] {strides = array<i32>} : memref<4x128xf32, #tpu.memory_space<vmem>>, vector<1x16xf32>,
      %get3A_700 = vector.shape_cast %get3A_699 : vector<1x16xf32> to vector<16xf32>
      %add3A_701 = arith.addf %get3A_695, %get3A_700 : vector<16xf32>
      %swap3A_702 = arith.constant 1 : i32
      %swap3A_703 = arith.index_cast %swap3A_702 : i32 to index
      %swap3A_704 = arith.constant 112 : index
      %swap3A_705 = tpu.vector_load %arg9[%swap3A_703, %swap3A_704] {strides = array<i32>} : memref<4x128xf32, #tpu.memory_space<vmem>>, vector<1x16xf32>,
      %swap3A_706 = vector.shape_cast %swap3A_705 : vector<1x16xf32> to vector<16xf32>
      %swap3A_707 = vector.shape_cast %add3A_701 : vector<16xf32> to vector<1x16xf32>
      tpu.vector_store %arg9[%swap3A_703, %swap3A_704], %swap3A_707 {strides = array<i32>} : memref<4x128xf32, #tpu.memory_space<vmem>>, vector<1x16xf32>,
      %get3A_708 = arith.constant 2 : i32
      %get3A_709 = arith.index_cast %get3A_708 : i32 to index
      %get3A_710 = arith.constant 0 : index
      %get3A_711 = tpu.vector_load %arg9[%get3A_709, %get3A_710] {strides = array<i32>} : memref<4x128xf32, #tpu.memory_space<vmem>>, vector<1x16xf32>,
      %get3A_712 = vector.shape_cast %get3A_711 : vector<1x16xf32> to vector<16xf32>
      %get3A_713 = arith.constant 2 : i32
      %get3A_714 = arith.index_cast %get3A_713 : i32 to index
      %get3A_715 = arith.constant 0 : index
      %get3A_716 = tpu.vector_load %arg8[%get3A_714, %get3A_715] {strides = array<i32>} : memref<4x128xf32, #tpu.memory_space<vmem>>, vector<1x16xf32>,
      %get3A_717 = vector.shape_cast %get3A_716 : vector<1x16xf32> to vector<16xf32>
      %add3A_718 = arith.addf %get3A_712, %get3A_717 : vector<16xf32>
      %swap3A_719 = arith.constant 2 : i32
      %swap3A_720 = arith.index_cast %swap3A_719 : i32 to index
      %swap3A_721 = arith.constant 0 : index
      %swap3A_722 = tpu.vector_load %arg9[%swap3A_720, %swap3A_721] {strides = array<i32>} : memref<4x128xf32, #tpu.memory_space<vmem>>, vector<1x16xf32>,
      %swap3A_723 = vector.shape_cast %swap3A_722 : vector<1x16xf32> to vector<16xf32>
      %swap3A_724 = vector.shape_cast %add3A_718 : vector<16xf32> to vector<1x16xf32>
      tpu.vector_store %arg9[%swap3A_720, %swap3A_721], %swap3A_724 {strides = array<i32>} : memref<4x128xf32, #tpu.memory_space<vmem>>, vector<1x16xf32>,
      %get3A_725 = arith.constant 2 : i32
      %get3A_726 = arith.index_cast %get3A_725 : i32 to index
      %get3A_727 = arith.constant 16 : index
      %get3A_728 = tpu.vector_load %arg9[%get3A_726, %get3A_727] {strides = array<i32>} : memref<4x128xf32, #tpu.memory_space<vmem>>, vector<1x16xf32>,
      %get3A_729 = vector.shape_cast %get3A_728 : vector<1x16xf32> to vector<16xf32>
      %get3A_730 = arith.constant 2 : i32
      %get3A_731 = arith.index_cast %get3A_730 : i32 to index
      %get3A_732 = arith.constant 16 : index
      %get3A_733 = tpu.vector_load %arg8[%get3A_731, %get3A_732] {strides = array<i32>} : memref<4x128xf32, #tpu.memory_space<vmem>>, vector<1x16xf32>,
      %get3A_734 = vector.shape_cast %get3A_733 : vector<1x16xf32> to vector<16xf32>
      %add3A_735 = arith.addf %get3A_729, %get3A_734 : vector<16xf32>
      %swap3A_736 = arith.constant 2 : i32
      %swap3A_737 = arith.index_cast %swap3A_736 : i32 to index
      %swap3A_738 = arith.constant 16 : index
      %swap3A_739 = tpu.vector_load %arg9[%swap3A_737, %swap3A_738] {strides = array<i32>} : memref<4x128xf32, #tpu.memory_space<vmem>>, vector<1x16xf32>,
      %swap3A_740 = vector.shape_cast %swap3A_739 : vector<1x16xf32> to vector<16xf32>
      %swap3A_741 = vector.shape_cast %add3A_735 : vector<16xf32> to vector<1x16xf32>
      tpu.vector_store %arg9[%swap3A_737, %swap3A_738], %swap3A_741 {strides = array<i32>} : memref<4x128xf32, #tpu.memory_space<vmem>>, vector<1x16xf32>,
      %get3A_742 = arith.constant 2 : i32
      %get3A_743 = arith.index_cast %get3A_742 : i32 to index
      %get3A_744 = arith.constant 32 : index
      %get3A_745 = tpu.vector_load %arg9[%get3A_743, %get3A_744] {strides = array<i32>} : memref<4x128xf32, #tpu.memory_space<vmem>>, vector<1x16xf32>,
      %get3A_746 = vector.shape_cast %get3A_745 : vector<1x16xf32> to vector<16xf32>
      %get3A_747 = arith.constant 2 : i32
      %get3A_748 = arith.index_cast %get3A_747 : i32 to index
      %get3A_749 = arith.constant 32 : index
      %get3A_750 = tpu.vector_load %arg8[%get3A_748, %get3A_749] {strides = array<i32>} : memref<4x128xf32, #tpu.memory_space<vmem>>, vector<1x16xf32>,
      %get3A_751 = vector.shape_cast %get3A_750 : vector<1x16xf32> to vector<16xf32>
      %add3A_752 = arith.addf %get3A_746, %get3A_751 : vector<16xf32>
      %swap3A_753 = arith.constant 2 : i32
      %swap3A_754 = arith.index_cast %swap3A_753 : i32 to index
      %swap3A_755 = arith.constant 32 : index
      %swap3A_756 = tpu.vector_load %arg9[%swap3A_754, %swap3A_755] {strides = array<i32>} : memref<4x128xf32, #tpu.memory_space<vmem>>, vector<1x16xf32>,
      %swap3A_757 = vector.shape_cast %swap3A_756 : vector<1x16xf32> to vector<16xf32>
      %swap3A_758 = vector.shape_cast %add3A_752 : vector<16xf32> to vector<1x16xf32>
      tpu.vector_store %arg9[%swap3A_754, %swap3A_755], %swap3A_758 {strides = array<i32>} : memref<4x128xf32, #tpu.memory_space<vmem>>, vector<1x16xf32>,
      %get3A_759 = arith.constant 2 : i32
      %get3A_760 = arith.index_cast %get3A_759 : i32 to index
      %get3A_761 = arith.constant 48 : index
      %get3A_762 = tpu.vector_load %arg9[%get3A_760, %get3A_761] {strides = array<i32>} : memref<4x128xf32, #tpu.memory_space<vmem>>, vector<1x16xf32>,
      %get3A_763 = vector.shape_cast %get3A_762 : vector<1x16xf32> to vector<16xf32>
      %get3A_764 = arith.constant 2 : i32
      %get3A_765 = arith.index_cast %get3A_764 : i32 to index
      %get3A_766 = arith.constant 48 : index
      %get3A_767 = tpu.vector_load %arg8[%get3A_765, %get3A_766] {strides = array<i32>} : memref<4x128xf32, #tpu.memory_space<vmem>>, vector<1x16xf32>,
      %get3A_768 = vector.shape_cast %get3A_767 : vector<1x16xf32> to vector<16xf32>
      %add3A_769 = arith.addf %get3A_763, %get3A_768 : vector<16xf32>
      %swap3A_770 = arith.constant 2 : i32
      %swap3A_771 = arith.index_cast %swap3A_770 : i32 to index
      %swap3A_772 = arith.constant 48 : index
      %swap3A_773 = tpu.vector_load %arg9[%swap3A_771, %swap3A_772] {strides = array<i32>} : memref<4x128xf32, #tpu.memory_space<vmem>>, vector<1x16xf32>,
      %swap3A_774 = vector.shape_cast %swap3A_773 : vector<1x16xf32> to vector<16xf32>
      %swap3A_775 = vector.shape_cast %add3A_769 : vector<16xf32> to vector<1x16xf32>
      tpu.vector_store %arg9[%swap3A_771, %swap3A_772], %swap3A_775 {strides = array<i32>} : memref<4x128xf32, #tpu.memory_space<vmem>>, vector<1x16xf32>,
      %get3A_776 = arith.constant 2 : i32
      %get3A_777 = arith.index_cast %get3A_776 : i32 to index
      %get3A_778 = arith.constant 64 : index
      %get3A_779 = tpu.vector_load %arg9[%get3A_777, %get3A_778] {strides = array<i32>} : memref<4x128xf32, #tpu.memory_space<vmem>>, vector<1x16xf32>,
      %get3A_780 = vector.shape_cast %get3A_779 : vector<1x16xf32> to vector<16xf32>
      %get3A_781 = arith.constant 2 : i32
      %get3A_782 = arith.index_cast %get3A_781 : i32 to index
      %get3A_783 = arith.constant 64 : index
      %get3A_784 = tpu.vector_load %arg8[%get3A_782, %get3A_783] {strides = array<i32>} : memref<4x128xf32, #tpu.memory_space<vmem>>, vector<1x16xf32>,
      %get3A_785 = vector.shape_cast %get3A_784 : vector<1x16xf32> to vector<16xf32>
      %add3A_786 = arith.addf %get3A_780, %get3A_785 : vector<16xf32>
      %swap3A_787 = arith.constant 2 : i32
      %swap3A_788 = arith.index_cast %swap3A_787 : i32 to index
      %swap3A_789 = arith.constant 64 : index
      %swap3A_790 = tpu.vector_load %arg9[%swap3A_788, %swap3A_789] {strides = array<i32>} : memref<4x128xf32, #tpu.memory_space<vmem>>, vector<1x16xf32>,
      %swap3A_791 = vector.shape_cast %swap3A_790 : vector<1x16xf32> to vector<16xf32>
      %swap3A_792 = vector.shape_cast %add3A_786 : vector<16xf32> to vector<1x16xf32>
      tpu.vector_store %arg9[%swap3A_788, %swap3A_789], %swap3A_792 {strides = array<i32>} : memref<4x128xf32, #tpu.memory_space<vmem>>, vector<1x16xf32>,
      %get3A_793 = arith.constant 2 : i32
      %get3A_794 = arith.index_cast %get3A_793 : i32 to index
      %get3A_795 = arith.constant 80 : index
      %get3A_796 = tpu.vector_load %arg9[%get3A_794, %get3A_795] {strides = array<i32>} : memref<4x128xf32, #tpu.memory_space<vmem>>, vector<1x16xf32>,
      %get3A_797 = vector.shape_cast %get3A_796 : vector<1x16xf32> to vector<16xf32>
      %get3A_798 = arith.constant 2 : i32
      %get3A_799 = arith.index_cast %get3A_798 : i32 to index
      %get3A_800 = arith.constant 80 : index
      %get3A_801 = tpu.vector_load %arg8[%get3A_799, %get3A_800] {strides = array<i32>} : memref<4x128xf32, #tpu.memory_space<vmem>>, vector<1x16xf32>,
      %get3A_802 = vector.shape_cast %get3A_801 : vector<1x16xf32> to vector<16xf32>
      %add3A_803 = arith.addf %get3A_797, %get3A_802 : vector<16xf32>
      %swap3A_804 = arith.constant 2 : i32
      %swap3A_805 = arith.index_cast %swap3A_804 : i32 to index
      %swap3A_806 = arith.constant 80 : index
      %swap3A_807 = tpu.vector_load %arg9[%swap3A_805, %swap3A_806] {strides = array<i32>} : memref<4x128xf32, #tpu.memory_space<vmem>>, vector<1x16xf32>,
      %swap3A_808 = vector.shape_cast %swap3A_807 : vector<1x16xf32> to vector<16xf32>
      %swap3A_809 = vector.shape_cast %add3A_803 : vector<16xf32> to vector<1x16xf32>
      tpu.vector_store %arg9[%swap3A_805, %swap3A_806], %swap3A_809 {strides = array<i32>} : memref<4x128xf32, #tpu.memory_space<vmem>>, vector<1x16xf32>,
      %get3A_810 = arith.constant 2 : i32
      %get3A_811 = arith.index_cast %get3A_810 : i32 to index
      %get3A_812 = arith.constant 96 : index
      %get3A_813 = tpu.vector_load %arg9[%get3A_811, %get3A_812] {strides = array<i32>} : memref<4x128xf32, #tpu.memory_space<vmem>>, vector<1x16xf32>,
      %get3A_814 = vector.shape_cast %get3A_813 : vector<1x16xf32> to vector<16xf32>
      %get3A_815 = arith.constant 2 : i32
      %get3A_816 = arith.index_cast %get3A_815 : i32 to index
      %get3A_817 = arith.constant 96 : index
      %get3A_818 = tpu.vector_load %arg8[%get3A_816, %get3A_817] {strides = array<i32>} : memref<4x128xf32, #tpu.memory_space<vmem>>, vector<1x16xf32>,
      %get3A_819 = vector.shape_cast %get3A_818 : vector<1x16xf32> to vector<16xf32>
      %add3A_820 = arith.addf %get3A_814, %get3A_819 : vector<16xf32>
      %swap3A_821 = arith.constant 2 : i32
      %swap3A_822 = arith.index_cast %swap3A_821 : i32 to index
      %swap3A_823 = arith.constant 96 : index
      %swap3A_824 = tpu.vector_load %arg9[%swap3A_822, %swap3A_823] {strides = array<i32>} : memref<4x128xf32, #tpu.memory_space<vmem>>, vector<1x16xf32>,
      %swap3A_825 = vector.shape_cast %swap3A_824 : vector<1x16xf32> to vector<16xf32>
      %swap3A_826 = vector.shape_cast %add3A_820 : vector<16xf32> to vector<1x16xf32>
      tpu.vector_store %arg9[%swap3A_822, %swap3A_823], %swap3A_826 {strides = array<i32>} : memref<4x128xf32, #tpu.memory_space<vmem>>, vector<1x16xf32>,
      %get3A_827 = arith.constant 2 : i32
      %get3A_828 = arith.index_cast %get3A_827 : i32 to index
      %get3A_829 = arith.constant 112 : index
      %get3A_830 = tpu.vector_load %arg9[%get3A_828, %get3A_829] {strides = array<i32>} : memref<4x128xf32, #tpu.memory_space<vmem>>, vector<1x16xf32>,
      %get3A_831 = vector.shape_cast %get3A_830 : vector<1x16xf32> to vector<16xf32>
      %get3A_832 = arith.constant 2 : i32
      %get3A_833 = arith.index_cast %get3A_832 : i32 to index
      %get3A_834 = arith.constant 112 : index
      %get3A_835 = tpu.vector_load %arg8[%get3A_833, %get3A_834] {strides = array<i32>} : memref<4x128xf32, #tpu.memory_space<vmem>>, vector<1x16xf32>,
      %get3A_836 = vector.shape_cast %get3A_835 : vector<1x16xf32> to vector<16xf32>
      %add3A_837 = arith.addf %get3A_831, %get3A_836 : vector<16xf32>
      %swap3A_838 = arith.constant 2 : i32
      %swap3A_839 = arith.index_cast %swap3A_838 : i32 to index
      %swap3A_840 = arith.constant 112 : index
      %swap3A_841 = tpu.vector_load %arg9[%swap3A_839, %swap3A_840] {strides = array<i32>} : memref<4x128xf32, #tpu.memory_space<vmem>>, vector<1x16xf32>,
      %swap3A_842 = vector.shape_cast %swap3A_841 : vector<1x16xf32> to vector<16xf32>
      %swap3A_843 = vector.shape_cast %add3A_837 : vector<16xf32> to vector<1x16xf32>
      tpu.vector_store %arg9[%swap3A_839, %swap3A_840], %swap3A_843 {strides = array<i32>} : memref<4x128xf32, #tpu.memory_space<vmem>>, vector<1x16xf32>,
      %get3A_844 = arith.constant 3 : i32
      %get3A_845 = arith.index_cast %get3A_844 : i32 to index
      %get3A_846 = arith.constant 0 : index
      %get3A_847 = tpu.vector_load %arg9[%get3A_845, %get3A_846] {strides = array<i32>} : memref<4x128xf32, #tpu.memory_space<vmem>>, vector<1x16xf32>,
      %get3A_848 = vector.shape_cast %get3A_847 : vector<1x16xf32> to vector<16xf32>
      %get3A_849 = arith.constant 3 : i32
      %get3A_850 = arith.index_cast %get3A_849 : i32 to index
      %get3A_851 = arith.constant 0 : index
      %get3A_852 = tpu.vector_load %arg8[%get3A_850, %get3A_851] {strides = array<i32>} : memref<4x128xf32, #tpu.memory_space<vmem>>, vector<1x16xf32>,
      %get3A_853 = vector.shape_cast %get3A_852 : vector<1x16xf32> to vector<16xf32>
      %add3A_854 = arith.addf %get3A_848, %get3A_853 : vector<16xf32>
      %swap3A_855 = arith.constant 3 : i32
      %swap3A_856 = arith.index_cast %swap3A_855 : i32 to index
      %swap3A_857 = arith.constant 0 : index
      %swap3A_858 = tpu.vector_load %arg9[%swap3A_856, %swap3A_857] {strides = array<i32>} : memref<4x128xf32, #tpu.memory_space<vmem>>, vector<1x16xf32>,
      %swap3A_859 = vector.shape_cast %swap3A_858 : vector<1x16xf32> to vector<16xf32>
      %swap3A_860 = vector.shape_cast %add3A_854 : vector<16xf32> to vector<1x16xf32>
      tpu.vector_store %arg9[%swap3A_856, %swap3A_857], %swap3A_860 {strides = array<i32>} : memref<4x128xf32, #tpu.memory_space<vmem>>, vector<1x16xf32>,
      %get3A_861 = arith.constant 3 : i32
      %get3A_862 = arith.index_cast %get3A_861 : i32 to index
      %get3A_863 = arith.constant 16 : index
      %get3A_864 = tpu.vector_load %arg9[%get3A_862, %get3A_863] {strides = array<i32>} : memref<4x128xf32, #tpu.memory_space<vmem>>, vector<1x16xf32>,
      %get3A_865 = vector.shape_cast %get3A_864 : vector<1x16xf32> to vector<16xf32>
      %get3A_866 = arith.constant 3 : i32
      %get3A_867 = arith.index_cast %get3A_866 : i32 to index
      %get3A_868 = arith.constant 16 : index
      %get3A_869 = tpu.vector_load %arg8[%get3A_867, %get3A_868] {strides = array<i32>} : memref<4x128xf32, #tpu.memory_space<vmem>>, vector<1x16xf32>,
      %get3A_870 = vector.shape_cast %get3A_869 : vector<1x16xf32> to vector<16xf32>
      %add3A_871 = arith.addf %get3A_865, %get3A_870 : vector<16xf32>
      %swap3A_872 = arith.constant 3 : i32
      %swap3A_873 = arith.index_cast %swap3A_872 : i32 to index
      %swap3A_874 = arith.constant 16 : index
      %swap3A_875 = tpu.vector_load %arg9[%swap3A_873, %swap3A_874] {strides = array<i32>} : memref<4x128xf32, #tpu.memory_space<vmem>>, vector<1x16xf32>,
      %swap3A_876 = vector.shape_cast %swap3A_875 : vector<1x16xf32> to vector<16xf32>
      %swap3A_877 = vector.shape_cast %add3A_871 : vector<16xf32> to vector<1x16xf32>
      tpu.vector_store %arg9[%swap3A_873, %swap3A_874], %swap3A_877 {strides = array<i32>} : memref<4x128xf32, #tpu.memory_space<vmem>>, vector<1x16xf32>,
      %get3A_878 = arith.constant 3 : i32
      %get3A_879 = arith.index_cast %get3A_878 : i32 to index
      %get3A_880 = arith.constant 32 : index
      %get3A_881 = tpu.vector_load %arg9[%get3A_879, %get3A_880] {strides = array<i32>} : memref<4x128xf32, #tpu.memory_space<vmem>>, vector<1x16xf32>,
      %get3A_882 = vector.shape_cast %get3A_881 : vector<1x16xf32> to vector<16xf32>
      %get3A_883 = arith.constant 3 : i32
      %get3A_884 = arith.index_cast %get3A_883 : i32 to index
      %get3A_885 = arith.constant 32 : index
      %get3A_886 = tpu.vector_load %arg8[%get3A_884, %get3A_885] {strides = array<i32>} : memref<4x128xf32, #tpu.memory_space<vmem>>, vector<1x16xf32>,
      %get3A_887 = vector.shape_cast %get3A_886 : vector<1x16xf32> to vector<16xf32>
      %add3A_888 = arith.addf %get3A_882, %get3A_887 : vector<16xf32>
      %swap3A_889 = arith.constant 3 : i32
      %swap3A_890 = arith.index_cast %swap3A_889 : i32 to index
      %swap3A_891 = arith.constant 32 : index
      %swap3A_892 = tpu.vector_load %arg9[%swap3A_890, %swap3A_891] {strides = array<i32>} : memref<4x128xf32, #tpu.memory_space<vmem>>, vector<1x16xf32>,
      %swap3A_893 = vector.shape_cast %swap3A_892 : vector<1x16xf32> to vector<16xf32>
      %swap3A_894 = vector.shape_cast %add3A_888 : vector<16xf32> to vector<1x16xf32>
      tpu.vector_store %arg9[%swap3A_890, %swap3A_891], %swap3A_894 {strides = array<i32>} : memref<4x128xf32, #tpu.memory_space<vmem>>, vector<1x16xf32>,
      %get3A_895 = arith.constant 3 : i32
      %get3A_896 = arith.index_cast %get3A_895 : i32 to index
      %get3A_897 = arith.constant 48 : index
      %get3A_898 = tpu.vector_load %arg9[%get3A_896, %get3A_897] {strides = array<i32>} : memref<4x128xf32, #tpu.memory_space<vmem>>, vector<1x16xf32>,
      %get3A_899 = vector.shape_cast %get3A_898 : vector<1x16xf32> to vector<16xf32>
      %get3A_900 = arith.constant 3 : i32
      %get3A_901 = arith.index_cast %get3A_900 : i32 to index
      %get3A_902 = arith.constant 48 : index
      %get3A_903 = tpu.vector_load %arg8[%get3A_901, %get3A_902] {strides = array<i32>} : memref<4x128xf32, #tpu.memory_space<vmem>>, vector<1x16xf32>,
      %get3A_904 = vector.shape_cast %get3A_903 : vector<1x16xf32> to vector<16xf32>
      %add3A_905 = arith.addf %get3A_899, %get3A_904 : vector<16xf32>
      %swap3A_906 = arith.constant 3 : i32
      %swap3A_907 = arith.index_cast %swap3A_906 : i32 to index
      %swap3A_908 = arith.constant 48 : index
      %swap3A_909 = tpu.vector_load %arg9[%swap3A_907, %swap3A_908] {strides = array<i32>} : memref<4x128xf32, #tpu.memory_space<vmem>>, vector<1x16xf32>,
      %swap3A_910 = vector.shape_cast %swap3A_909 : vector<1x16xf32> to vector<16xf32>
      %swap3A_911 = vector.shape_cast %add3A_905 : vector<16xf32> to vector<1x16xf32>
      tpu.vector_store %arg9[%swap3A_907, %swap3A_908], %swap3A_911 {strides = array<i32>} : memref<4x128xf32, #tpu.memory_space<vmem>>, vector<1x16xf32>,
      %get3A_912 = arith.constant 3 : i32
      %get3A_913 = arith.index_cast %get3A_912 : i32 to index
      %get3A_914 = arith.constant 64 : index
      %get3A_915 = tpu.vector_load %arg9[%get3A_913, %get3A_914] {strides = array<i32>} : memref<4x128xf32, #tpu.memory_space<vmem>>, vector<1x16xf32>,
      %get3A_916 = vector.shape_cast %get3A_915 : vector<1x16xf32> to vector<16xf32>
      %get3A_917 = arith.constant 3 : i32
      %get3A_918 = arith.index_cast %get3A_917 : i32 to index
      %get3A_919 = arith.constant 64 : index
      %get3A_920 = tpu.vector_load %arg8[%get3A_918, %get3A_919] {strides = array<i32>} : memref<4x128xf32, #tpu.memory_space<vmem>>, vector<1x16xf32>,
      %get3A_921 = vector.shape_cast %get3A_920 : vector<1x16xf32> to vector<16xf32>
      %add3A_922 = arith.addf %get3A_916, %get3A_921 : vector<16xf32>
      %swap3A_923 = arith.constant 3 : i32
      %swap3A_924 = arith.index_cast %swap3A_923 : i32 to index
      %swap3A_925 = arith.constant 64 : index
      %swap3A_926 = tpu.vector_load %arg9[%swap3A_924, %swap3A_925] {strides = array<i32>} : memref<4x128xf32, #tpu.memory_space<vmem>>, vector<1x16xf32>,
      %swap3A_927 = vector.shape_cast %swap3A_926 : vector<1x16xf32> to vector<16xf32>
      %swap3A_928 = vector.shape_cast %add3A_922 : vector<16xf32> to vector<1x16xf32>
      tpu.vector_store %arg9[%swap3A_924, %swap3A_925], %swap3A_928 {strides = array<i32>} : memref<4x128xf32, #tpu.memory_space<vmem>>, vector<1x16xf32>,
      %get3A_929 = arith.constant 3 : i32
      %get3A_930 = arith.index_cast %get3A_929 : i32 to index
      %get3A_931 = arith.constant 80 : index
      %get3A_932 = tpu.vector_load %arg9[%get3A_930, %get3A_931] {strides = array<i32>} : memref<4x128xf32, #tpu.memory_space<vmem>>, vector<1x16xf32>,
      %get3A_933 = vector.shape_cast %get3A_932 : vector<1x16xf32> to vector<16xf32>
      %get3A_934 = arith.constant 3 : i32
      %get3A_935 = arith.index_cast %get3A_934 : i32 to index
      %get3A_936 = arith.constant 80 : index
      %get3A_937 = tpu.vector_load %arg8[%get3A_935, %get3A_936] {strides = array<i32>} : memref<4x128xf32, #tpu.memory_space<vmem>>, vector<1x16xf32>,
      %get3A_938 = vector.shape_cast %get3A_937 : vector<1x16xf32> to vector<16xf32>
      %add3A_939 = arith.addf %get3A_933, %get3A_938 : vector<16xf32>
      %swap3A_940 = arith.constant 3 : i32
      %swap3A_941 = arith.index_cast %swap3A_940 : i32 to index
      %swap3A_942 = arith.constant 80 : index
      %swap3A_943 = tpu.vector_load %arg9[%swap3A_941, %swap3A_942] {strides = array<i32>} : memref<4x128xf32, #tpu.memory_space<vmem>>, vector<1x16xf32>,
      %swap3A_944 = vector.shape_cast %swap3A_943 : vector<1x16xf32> to vector<16xf32>
      %swap3A_945 = vector.shape_cast %add3A_939 : vector<16xf32> to vector<1x16xf32>
      tpu.vector_store %arg9[%swap3A_941, %swap3A_942], %swap3A_945 {strides = array<i32>} : memref<4x128xf32, #tpu.memory_space<vmem>>, vector<1x16xf32>,
      %get3A_946 = arith.constant 3 : i32
      %get3A_947 = arith.index_cast %get3A_946 : i32 to index
      %get3A_948 = arith.constant 96 : index
      %get3A_949 = tpu.vector_load %arg9[%get3A_947, %get3A_948] {strides = array<i32>} : memref<4x128xf32, #tpu.memory_space<vmem>>, vector<1x16xf32>,
      %get3A_950 = vector.shape_cast %get3A_949 : vector<1x16xf32> to vector<16xf32>
      %get3A_951 = arith.constant 3 : i32
      %get3A_952 = arith.index_cast %get3A_951 : i32 to index
      %get3A_953 = arith.constant 96 : index
      %get3A_954 = tpu.vector_load %arg8[%get3A_952, %get3A_953] {strides = array<i32>} : memref<4x128xf32, #tpu.memory_space<vmem>>, vector<1x16xf32>,
      %get3A_955 = vector.shape_cast %get3A_954 : vector<1x16xf32> to vector<16xf32>
      %add3A_956 = arith.addf %get3A_950, %get3A_955 : vector<16xf32>
      %swap3A_957 = arith.constant 3 : i32
      %swap3A_958 = arith.index_cast %swap3A_957 : i32 to index
      %swap3A_959 = arith.constant 96 : index
      %swap3A_960 = tpu.vector_load %arg9[%swap3A_958, %swap3A_959] {strides = array<i32>} : memref<4x128xf32, #tpu.memory_space<vmem>>, vector<1x16xf32>,
      %swap3A_961 = vector.shape_cast %swap3A_960 : vector<1x16xf32> to vector<16xf32>
      %swap3A_962 = vector.shape_cast %add3A_956 : vector<16xf32> to vector<1x16xf32>
      tpu.vector_store %arg9[%swap3A_958, %swap3A_959], %swap3A_962 {strides = array<i32>} : memref<4x128xf32, #tpu.memory_space<vmem>>, vector<1x16xf32>,
      %get3A_963 = arith.constant 3 : i32
      %get3A_964 = arith.index_cast %get3A_963 : i32 to index
      %get3A_965 = arith.constant 112 : index
      %get3A_966 = tpu.vector_load %arg9[%get3A_964, %get3A_965] {strides = array<i32>} : memref<4x128xf32, #tpu.memory_space<vmem>>, vector<1x16xf32>,
      %get3A_967 = vector.shape_cast %get3A_966 : vector<1x16xf32> to vector<16xf32>
      %get3A_968 = arith.constant 3 : i32
      %get3A_969 = arith.index_cast %get3A_968 : i32 to index
      %get3A_970 = arith.constant 112 : index
      %get3A_971 = tpu.vector_load %arg8[%get3A_969, %get3A_970] {strides = array<i32>} : memref<4x128xf32, #tpu.memory_space<vmem>>, vector<1x16xf32>,
      %get3A_972 = vector.shape_cast %get3A_971 : vector<1x16xf32> to vector<16xf32>
      %add3A_973 = arith.addf %get3A_967, %get3A_972 : vector<16xf32>
      %swap3A_974 = arith.constant 3 : i32
      %swap3A_975 = arith.index_cast %swap3A_974 : i32 to index
      %swap3A_976 = arith.constant 112 : index
      %swap3A_977 = tpu.vector_load %arg9[%swap3A_975, %swap3A_976] {strides = array<i32>} : memref<4x128xf32, #tpu.memory_space<vmem>>, vector<1x16xf32>,
      %swap3A_978 = vector.shape_cast %swap3A_977 : vector<1x16xf32> to vector<16xf32>
      %swap3A_979 = vector.shape_cast %add3A_973 : vector<16xf32> to vector<1x16xf32>
      tpu.vector_store %arg9[%swap3A_975, %swap3A_976], %swap3A_979 {strides = array<i32>} : memref<4x128xf32, #tpu.memory_space<vmem>>, vector<1x16xf32>,
      %run_scoped3A_980 = arith.constant 0 : i32
      %run_scoped3A_981 = arith.constant 0 : i32
      "tpu.region"() ({
        %run_scoped3A_988 = tpu.sem_alloc : memref<!tpu.dma_semaphore, #tpu.memory_space<semaphore_mem>>
        %dma_start3A = arith.constant 0 : i32
        %dma_start3A_989 = tpu.memref_slice %arg9[%run_scoped3A_980, %dma_start3A] : memref<4x128xf32, #tpu.memory_space<vmem>> -> memref<1x128xf32, #tpu.memory_space<vmem>>
        %dma_start3A_990 = tpu.memref_squeeze %dma_start3A_989 : memref<1x128xf32, #tpu.memory_space<vmem>> -> memref<128xf32, #tpu.memory_space<vmem>>
        %dma_start3A_991 = arith.constant 0 : i32
        %dma_start3A_992 = tpu.memref_slice %arg7[%run_scoped3A_981, %dma_start3A_991] : memref<4x128xi32, #tpu.memory_space<vmem>> -> memref<1x128xi32, #tpu.memory_space<vmem>>
        %dma_start3A_993 = tpu.memref_squeeze %dma_start3A_992 : memref<1x128xi32, #tpu.memory_space<vmem>> -> memref<128xi32, #tpu.memory_space<vmem>>
        %dma_start3A_994 = arith.constant 0 : i32
        %dma_start3A_995 = tpu.memref_slice %arg2[%dma_start3A_994] : memref<25690112xf32, #tpu.memory_space<hbm>> -> memref<25690112xf32, #tpu.memory_space<hbm>>
        tpu.enqueue_indirect_dma source(%dma_start3A_990 : memref<128xf32, #tpu.memory_space<vmem>>) target(%dma_start3A_995 : memref<25690112xf32, #tpu.memory_space<hbm>>) offsets(%dma_start3A_993 : memref<128xi32, #tpu.memory_space<vmem>>) semaphore(%run_scoped3A_988 : memref<!tpu.dma_semaphore, #tpu.memory_space<semaphore_mem>>)
        %dma_wait3A = arith.constant 0 : i32
        %dma_wait3A_996 = tpu.memref_slice %arg9[%run_scoped3A_980, %dma_wait3A] : memref<4x128xf32, #tpu.memory_space<vmem>> -> memref<1x128xf32, #tpu.memory_space<vmem>>
        %dma_wait3A_997 = tpu.memref_squeeze %dma_wait3A_996 : memref<1x128xf32, #tpu.memory_space<vmem>> -> memref<128xf32, #tpu.memory_space<vmem>>
        %dma_wait3A_998 = arith.constant 0 : i32
        %dma_wait3A_999 = tpu.memref_slice %arg7[%run_scoped3A_981, %dma_wait3A_998] : memref<4x128xi32, #tpu.memory_space<vmem>> -> memref<1x128xi32, #tpu.memory_space<vmem>>
        %dma_wait3A_1000 = tpu.memref_squeeze %dma_wait3A_999 : memref<1x128xi32, #tpu.memory_space<vmem>> -> memref<128xi32, #tpu.memory_space<vmem>>
        %dma_wait3A_1001 = arith.constant 0 : i32
        %dma_wait3A_1002 = tpu.memref_slice %arg2[%dma_wait3A_1001] : memref<25690112xf32, #tpu.memory_space<hbm>> -> memref<25690112xf32, #tpu.memory_space<hbm>>
        tpu.wait_indirect_dma semaphore(%run_scoped3A_988 : memref<!tpu.dma_semaphore, #tpu.memory_space<semaphore_mem>>) src(%dma_wait3A_997 : memref<128xf32, #tpu.memory_space<vmem>>) dst(%dma_wait3A_1002 : memref<25690112xf32, #tpu.memory_space<hbm>>)
        tpu.yield
      }) : () -> ()
      %run_scoped3A_982 = arith.constant 1 : i32
      %run_scoped3A_983 = arith.constant 1 : i32
      "tpu.region"() ({
        %run_scoped3A_988 = tpu.sem_alloc : memref<!tpu.dma_semaphore, #tpu.memory_space<semaphore_mem>>
        %dma_start3A = arith.constant 0 : i32
        %dma_start3A_989 = tpu.memref_slice %arg9[%run_scoped3A_982, %dma_start3A] : memref<4x128xf32, #tpu.memory_space<vmem>> -> memref<1x128xf32, #tpu.memory_space<vmem>>
        %dma_start3A_990 = tpu.memref_squeeze %dma_start3A_989 : memref<1x128xf32, #tpu.memory_space<vmem>> -> memref<128xf32, #tpu.memory_space<vmem>>
        %dma_start3A_991 = arith.constant 0 : i32
        %dma_start3A_992 = tpu.memref_slice %arg7[%run_scoped3A_983, %dma_start3A_991] : memref<4x128xi32, #tpu.memory_space<vmem>> -> memref<1x128xi32, #tpu.memory_space<vmem>>
        %dma_start3A_993 = tpu.memref_squeeze %dma_start3A_992 : memref<1x128xi32, #tpu.memory_space<vmem>> -> memref<128xi32, #tpu.memory_space<vmem>>
        %dma_start3A_994 = arith.constant 0 : i32
        %dma_start3A_995 = tpu.memref_slice %arg2[%dma_start3A_994] : memref<25690112xf32, #tpu.memory_space<hbm>> -> memref<25690112xf32, #tpu.memory_space<hbm>>
        tpu.enqueue_indirect_dma source(%dma_start3A_990 : memref<128xf32, #tpu.memory_space<vmem>>) target(%dma_start3A_995 : memref<25690112xf32, #tpu.memory_space<hbm>>) offsets(%dma_start3A_993 : memref<128xi32, #tpu.memory_space<vmem>>) semaphore(%run_scoped3A_988 : memref<!tpu.dma_semaphore, #tpu.memory_space<semaphore_mem>>)
        %dma_wait3A = arith.constant 0 : i32
        %dma_wait3A_996 = tpu.memref_slice %arg9[%run_scoped3A_982, %dma_wait3A] : memref<4x128xf32, #tpu.memory_space<vmem>> -> memref<1x128xf32, #tpu.memory_space<vmem>>
        %dma_wait3A_997 = tpu.memref_squeeze %dma_wait3A_996 : memref<1x128xf32, #tpu.memory_space<vmem>> -> memref<128xf32, #tpu.memory_space<vmem>>
        %dma_wait3A_998 = arith.constant 0 : i32
        %dma_wait3A_999 = tpu.memref_slice %arg7[%run_scoped3A_983, %dma_wait3A_998] : memref<4x128xi32, #tpu.memory_space<vmem>> -> memref<1x128xi32, #tpu.memory_space<vmem>>
        %dma_wait3A_1000 = tpu.memref_squeeze %dma_wait3A_999 : memref<1x128xi32, #tpu.memory_space<vmem>> -> memref<128xi32, #tpu.memory_space<vmem>>
        %dma_wait3A_1001 = arith.constant 0 : i32
        %dma_wait3A_1002 = tpu.memref_slice %arg2[%dma_wait3A_1001] : memref<25690112xf32, #tpu.memory_space<hbm>> -> memref<25690112xf32, #tpu.memory_space<hbm>>
        tpu.wait_indirect_dma semaphore(%run_scoped3A_988 : memref<!tpu.dma_semaphore, #tpu.memory_space<semaphore_mem>>) src(%dma_wait3A_997 : memref<128xf32, #tpu.memory_space<vmem>>) dst(%dma_wait3A_1002 : memref<25690112xf32, #tpu.memory_space<hbm>>)
        tpu.yield
      }) : () -> ()
      %run_scoped3A_984 = arith.constant 2 : i32
      %run_scoped3A_985 = arith.constant 2 : i32
      "tpu.region"() ({
        %run_scoped3A_988 = tpu.sem_alloc : memref<!tpu.dma_semaphore, #tpu.memory_space<semaphore_mem>>
        %dma_start3A = arith.constant 0 : i32
        %dma_start3A_989 = tpu.memref_slice %arg9[%run_scoped3A_984, %dma_start3A] : memref<4x128xf32, #tpu.memory_space<vmem>> -> memref<1x128xf32, #tpu.memory_space<vmem>>
        %dma_start3A_990 = tpu.memref_squeeze %dma_start3A_989 : memref<1x128xf32, #tpu.memory_space<vmem>> -> memref<128xf32, #tpu.memory_space<vmem>>
        %dma_start3A_991 = arith.constant 0 : i32
        %dma_start3A_992 = tpu.memref_slice %arg7[%run_scoped3A_985, %dma_start3A_991] : memref<4x128xi32, #tpu.memory_space<vmem>> -> memref<1x128xi32, #tpu.memory_space<vmem>>
        %dma_start3A_993 = tpu.memref_squeeze %dma_start3A_992 : memref<1x128xi32, #tpu.memory_space<vmem>> -> memref<128xi32, #tpu.memory_space<vmem>>
        %dma_start3A_994 = arith.constant 0 : i32
        %dma_start3A_995 = tpu.memref_slice %arg2[%dma_start3A_994] : memref<25690112xf32, #tpu.memory_space<hbm>> -> memref<25690112xf32, #tpu.memory_space<hbm>>
        tpu.enqueue_indirect_dma source(%dma_start3A_990 : memref<128xf32, #tpu.memory_space<vmem>>) target(%dma_start3A_995 : memref<25690112xf32, #tpu.memory_space<hbm>>) offsets(%dma_start3A_993 : memref<128xi32, #tpu.memory_space<vmem>>) semaphore(%run_scoped3A_988 : memref<!tpu.dma_semaphore, #tpu.memory_space<semaphore_mem>>)
        %dma_wait3A = arith.constant 0 : i32
        %dma_wait3A_996 = tpu.memref_slice %arg9[%run_scoped3A_984, %dma_wait3A] : memref<4x128xf32, #tpu.memory_space<vmem>> -> memref<1x128xf32, #tpu.memory_space<vmem>>
        %dma_wait3A_997 = tpu.memref_squeeze %dma_wait3A_996 : memref<1x128xf32, #tpu.memory_space<vmem>> -> memref<128xf32, #tpu.memory_space<vmem>>
        %dma_wait3A_998 = arith.constant 0 : i32
        %dma_wait3A_999 = tpu.memref_slice %arg7[%run_scoped3A_985, %dma_wait3A_998] : memref<4x128xi32, #tpu.memory_space<vmem>> -> memref<1x128xi32, #tpu.memory_space<vmem>>
        %dma_wait3A_1000 = tpu.memref_squeeze %dma_wait3A_999 : memref<1x128xi32, #tpu.memory_space<vmem>> -> memref<128xi32, #tpu.memory_space<vmem>>
        %dma_wait3A_1001 = arith.constant 0 : i32
        %dma_wait3A_1002 = tpu.memref_slice %arg2[%dma_wait3A_1001] : memref<25690112xf32, #tpu.memory_space<hbm>> -> memref<25690112xf32, #tpu.memory_space<hbm>>
        tpu.wait_indirect_dma semaphore(%run_scoped3A_988 : memref<!tpu.dma_semaphore, #tpu.memory_space<semaphore_mem>>) src(%dma_wait3A_997 : memref<128xf32, #tpu.memory_space<vmem>>) dst(%dma_wait3A_1002 : memref<25690112xf32, #tpu.memory_space<hbm>>)
        tpu.yield
      }) : () -> ()
      %run_scoped3A_986 = arith.constant 3 : i32
      %run_scoped3A_987 = arith.constant 3 : i32
      "tpu.region"() ({
        %run_scoped3A_988 = tpu.sem_alloc : memref<!tpu.dma_semaphore, #tpu.memory_space<semaphore_mem>>
        %dma_start3A = arith.constant 0 : i32
        %dma_start3A_989 = tpu.memref_slice %arg9[%run_scoped3A_986, %dma_start3A] : memref<4x128xf32, #tpu.memory_space<vmem>> -> memref<1x128xf32, #tpu.memory_space<vmem>>
        %dma_start3A_990 = tpu.memref_squeeze %dma_start3A_989 : memref<1x128xf32, #tpu.memory_space<vmem>> -> memref<128xf32, #tpu.memory_space<vmem>>
        %dma_start3A_991 = arith.constant 0 : i32
        %dma_start3A_992 = tpu.memref_slice %arg7[%run_scoped3A_987, %dma_start3A_991] : memref<4x128xi32, #tpu.memory_space<vmem>> -> memref<1x128xi32, #tpu.memory_space<vmem>>
        %dma_start3A_993 = tpu.memref_squeeze %dma_start3A_992 : memref<1x128xi32, #tpu.memory_space<vmem>> -> memref<128xi32, #tpu.memory_space<vmem>>
        %dma_start3A_994 = arith.constant 0 : i32
        %dma_start3A_995 = tpu.memref_slice %arg2[%dma_start3A_994] : memref<25690112xf32, #tpu.memory_space<hbm>> -> memref<25690112xf32, #tpu.memory_space<hbm>>
        tpu.enqueue_indirect_dma source(%dma_start3A_990 : memref<128xf32, #tpu.memory_space<vmem>>) target(%dma_start3A_995 : memref<25690112xf32, #tpu.memory_space<hbm>>) offsets(%dma_start3A_993 : memref<128xi32, #tpu.memory_space<vmem>>) semaphore(%run_scoped3A_988 : memref<!tpu.dma_semaphore, #tpu.memory_space<semaphore_mem>>)
        %dma_wait3A = arith.constant 0 : i32
        %dma_wait3A_996 = tpu.memref_slice %arg9[%run_scoped3A_986, %dma_wait3A] : memref<4x128xf32, #tpu.memory_space<vmem>> -> memref<1x128xf32, #tpu.memory_space<vmem>>
        %dma_wait3A_997 = tpu.memref_squeeze %dma_wait3A_996 : memref<1x128xf32, #tpu.memory_space<vmem>> -> memref<128xf32, #tpu.memory_space<vmem>>
        %dma_wait3A_998 = arith.constant 0 : i32
        %dma_wait3A_999 = tpu.memref_slice %arg7[%run_scoped3A_987, %dma_wait3A_998] : memref<4x128xi32, #tpu.memory_space<vmem>> -> memref<1x128xi32, #tpu.memory_space<vmem>>
        %dma_wait3A_1000 = tpu.memref_squeeze %dma_wait3A_999 : memref<1x128xi32, #tpu.memory_space<vmem>> -> memref<128xi32, #tpu.memory_space<vmem>>
        %dma_wait3A_1001 = arith.constant 0 : i32
        %dma_wait3A_1002 = tpu.memref_slice %arg2[%dma_wait3A_1001] : memref<25690112xf32, #tpu.memory_space<hbm>> -> memref<25690112xf32, #tpu.memory_space<hbm>>
        tpu.wait_indirect_dma semaphore(%run_scoped3A_988 : memref<!tpu.dma_semaphore, #tpu.memory_space<semaphore_mem>>) src(%dma_wait3A_997 : memref<128xf32, #tpu.memory_space<vmem>>) dst(%dma_wait3A_1002 : memref<25690112xf32, #tpu.memory_space<hbm>>)
        tpu.yield
      }) : () -> ()
    }
    %scan3A_4 = arith.constant 16 : i32
    return
  }
}

module attributes {stable_mosaic.version = 14 : i64} {
  func.func @_totals_body(%arg0: i32, %arg1: memref<1x16x512xf32, #tpu.memory_space<vmem>>, %arg2: memref<32x512xi32, #tpu.memory_space<vmem>>, %arg3: memref<1x16x512xf32, #tpu.memory_space<vmem>>) attributes {dimension_semantics = [#tpu.dimension_semantics<arbitrary>], iteration_bounds = array<i64: 32>, scalar_prefetch = 0 : i64, scratch_operands = 0 : i64, tpu.core_type = #tpu.core_type<tc>, window_params = [{transform_indices = @transform_0, window_bounds = array<i64: 1, 16, 512>}, {pipeline_mode = #tpu.pipeline_mode<synchronous>, transform_indices = @transform_1, window_bounds = array<i64: 32, 512>}, {transform_indices = @transform_2, window_bounds = array<i64: 1, 16, 512>}]} {
    %get3A = arith.index_cast %arg0 : i32 to index
    %get3A_0 = arith.constant 0 : index
    %get3A_1 = vector.load %arg2[%get3A, %get3A_0] : memref<32x512xi32, #tpu.memory_space<vmem>>, vector<1x512xi32>
    %get3A_2 = vector.shape_cast %get3A_1 : vector<1x512xi32> to vector<512xi32>
    %broadcast_in_dim3A = vector.shape_cast %get3A_2 : vector<512xi32> to vector<512x1xi32>
    %broadcast_in_dim3A_3 = vector.shape_cast %get3A_2 : vector<512xi32> to vector<1x512xi32>
    %eq3A = vector.broadcast %broadcast_in_dim3A : vector<512x1xi32> to vector<512x512xi32>
    %eq3A_4 = vector.broadcast %broadcast_in_dim3A_3 : vector<1x512xi32> to vector<512x512xi32>
    %eq3A_5 = arith.cmpi eq, %eq3A, %eq3A_4 : vector<512x512xi32>
    %convert_element_type3A = arith.extui %eq3A_5 : vector<512x512xi1> to vector<512x512xi32>
    %convert_element_type3A_6 = arith.sitofp %convert_element_type3A : vector<512x512xi32> to vector<512x512xf32>
    %get3A_7 = arith.constant 0 : index
    %get3A_8 = arith.constant 0 : index
    %get3A_9 = arith.constant 0 : index
    %get3A_10 = vector.load %arg1[%get3A_7, %get3A_8, %get3A_9] : memref<1x16x512xf32, #tpu.memory_space<vmem>>, vector<1x16x512xf32>
    %get3A_11 = vector.shape_cast %get3A_10 : vector<1x16x512xf32> to vector<16x512xf32>
    %dot_general3A = arith.constant dense<0.000000e+00> : vector<16x512xf32>
    %dot_general3A_12 = tpu.matmul %get3A_11, %convert_element_type3A_6, %dot_general3A {dimension_numbers = #tpu.dot_dimension_numbers<[1], [0], [0], [1], [0, 0, 1, 1], [], []>, precision = #tpu.contract_precision<fp32>, transpose_lhs_hint = false} : vector<16x512xf32>, vector<512x512xf32>, vector<16x512xf32> -> vector<16x512xf32>
    %swap3A = arith.constant 0 : index
    %swap3A_13 = arith.constant 0 : index
    %swap3A_14 = arith.constant 0 : index
    %swap3A_15 = vector.load %arg3[%swap3A, %swap3A_13, %swap3A_14] : memref<1x16x512xf32, #tpu.memory_space<vmem>>, vector<1x16x512xf32>
    %swap3A_16 = vector.shape_cast %swap3A_15 : vector<1x16x512xf32> to vector<16x512xf32>
    %swap3A_17 = vector.shape_cast %dot_general3A_12 : vector<16x512xf32> to vector<1x16x512xf32>
    tpu.vector_store %arg3[%swap3A, %swap3A_13, %swap3A_14], %swap3A_17 {strides = array<i32>} : memref<1x16x512xf32, #tpu.memory_space<vmem>>, vector<1x16x512xf32>,
    return
  }
  func.func @transform_0(%arg0: i32) -> (i32, i32, i32) {
    %c0_i32 = arith.constant 0 : i32
    %c0_i32_0 = arith.constant 0 : i32
    %c0_i32_1 = arith.constant 0 : i32
    return %arg0, %c0_i32, %c0_i32_0 : i32, i32, i32
  }
  func.func @transform_1(%arg0: i32) -> (i32, i32) {
    %c0_i32 = arith.constant 0 : i32
    %c0_i32_0 = arith.constant 0 : i32
    %c0_i32_1 = arith.constant 0 : i32
    return %c0_i32, %c0_i32_0 : i32, i32
  }
  func.func @transform_2(%arg0: i32) -> (i32, i32, i32) {
    %c0_i32 = arith.constant 0 : i32
    %c0_i32_0 = arith.constant 0 : i32
    %c0_i32_1 = arith.constant 0 : i32
    return %arg0, %c0_i32, %c0_i32_0 : i32, i32, i32
  }
}

module attributes {stable_mosaic.version = 14 : i64} {
  func.func @_attn_body(%arg0: memref<16x32x512xf32, #tpu.memory_space<vmem>>, %arg1: memref<16x32xf32, #tpu.memory_space<vmem>>, %arg2: memref<32x16x512xf32, #tpu.memory_space<vmem>>) attributes {dimension_semantics = [], scalar_prefetch = 0 : i64, scratch_operands = 0 : i64, tpu.core_type = #tpu.core_type<tc>} {
    %get3A = arith.constant 0 : index
    %get3A_0 = arith.constant 0 : index
    %get3A_1 = vector.load %arg1[%get3A, %get3A_0] : memref<16x32xf32, #tpu.memory_space<vmem>>, vector<16x32xf32>
    %sub3A = arith.constant 1.000000e+00 : f32
    %sub3A_2 = vector.broadcast %sub3A : f32 to vector<16x32xf32>
    %sub3A_3 = arith.subf %sub3A_2, %get3A_1 : vector<16x32xf32>
    %broadcast_in_dim3A = vector.shape_cast %sub3A_3 : vector<16x32xf32> to vector<16x32x1xf32>
    %get3A_4 = arith.constant 0 : index
    %get3A_5 = arith.constant 0 : index
    %get3A_6 = arith.constant 0 : index
    %get3A_7 = vector.load %arg0[%get3A_4, %get3A_5, %get3A_6] : memref<16x32x512xf32, #tpu.memory_space<vmem>>, vector<16x32x512xf32>
    %mul3A = vector.broadcast %broadcast_in_dim3A : vector<16x32x1xf32> to vector<16x32x512xf32>
    %mul3A_8 = arith.mulf %mul3A, %get3A_7 : vector<16x32x512xf32>
    %transpose3A = tpu.transpose %mul3A_8, [1, 0, 2] : vector<16x32x512xf32> -> vector<32x16x512xf32>
    %swap3A = arith.constant 0 : index
    %swap3A_9 = arith.constant 0 : index
    %swap3A_10 = arith.constant 0 : index
    %swap3A_11 = vector.load %arg2[%swap3A, %swap3A_9, %swap3A_10] : memref<32x16x512xf32, #tpu.memory_space<vmem>>, vector<32x16x512xf32>
    tpu.vector_store %arg2[%swap3A, %swap3A_9, %swap3A_10], %transpose3A {strides = array<i32>} : memref<32x16x512xf32, #tpu.memory_space<vmem>>, vector<32x16x512xf32>,
    return
  }
}

module attributes {stable_mosaic.version = 14 : i64} {
  func.func @_dense_body(%arg0: i32, %arg1: i32, %arg2: memref<16x8x7168xf32, #tpu.memory_space<vmem>>, %arg3: memref<16x8x128xf32, #tpu.memory_space<vmem>>, %arg4: memref<128x7x8x128xf32, #tpu.memory_space<vmem>>) attributes {dimension_semantics = [#tpu.dimension_semantics<arbitrary>, #tpu.dimension_semantics<arbitrary>], iteration_bounds = array<i64: 4, 7>, scalar_prefetch = 0 : i64, scratch_operands = 0 : i64, tpu.core_type = #tpu.core_type<tc>, window_params = [{transform_indices = @transform_0, window_bounds = array<i64: 16, 8, 7168>}, {transform_indices = @transform_1, window_bounds = array<i64: 16, 8, 128>}, {transform_indices = @transform_2, window_bounds = array<i64: 128, 7, 8, 128>}]} {
    %get3A = arith.constant 0 : index
    %get3A_0 = arith.constant 0 : index
    %get3A_1 = arith.constant 0 : index
    %get3A_2 = vector.load %arg3[%get3A, %get3A_0, %get3A_1] : memref<16x8x128xf32, #tpu.memory_space<vmem>>, vector<16x8x1xf32>
    %get3A_3 = arith.constant 0 : index
    %get3A_4 = arith.constant 0 : index
    %get3A_5 = arith.constant 0 : index
    %get3A_6 = vector.load %arg2[%get3A_3, %get3A_4, %get3A_5] : memref<16x8x7168xf32, #tpu.memory_space<vmem>>, vector<16x8x7168xf32>
    %mul3A = vector.broadcast %get3A_2 : vector<16x8x1xf32> to vector<16x8x7168xf32>
    %mul3A_7 = arith.mulf %get3A_6, %mul3A : vector<16x8x7168xf32>
    %mul3A_8 = arith.constant 7168 : i32
    %mul3A_9 = arith.muli %arg1, %mul3A_8 : i32
    %iota3A = tpu.iota {dimensions = array<i32: 2>} : vector<16x8x7168xi32>
    %add3A = vector.broadcast %mul3A_9 : i32 to vector<16x8x7168xi32>
    %add3A_10 = arith.addi %add3A, %iota3A : vector<16x8x7168xi32>
    %lt3A = arith.constant 50000 : i32
    %lt3A_11 = vector.broadcast %lt3A : i32 to vector<16x8x7168xi32>
    %lt3A_12 = arith.cmpi slt, %add3A_10, %lt3A_11 : vector<16x8x7168xi32>
    %jit3A = arith.constant 0.000000e+00 : f32
    %broadcast_in_dim3A = vector.broadcast %jit3A : f32 to vector<16x8x7168xf32>
    %select_n3A = arith.select %lt3A_12, %mul3A_7, %broadcast_in_dim3A : vector<16x8x7168xi1>, vector<16x8x7168xf32>
    %reshape3A = vector.shape_cast %select_n3A : vector<16x8x7168xf32> to vector<16x8x7x8x128xf32>
    %transpose3A = tpu.transpose %reshape3A, [1, 0, 2, 3, 4] : vector<16x8x7x8x128xf32> -> vector<8x16x7x8x128xf32>
    %reshape3A_13 = vector.shape_cast %transpose3A : vector<8x16x7x8x128xf32> to vector<128x7x8x128xf32>
    %swap3A = arith.constant 0 : index
    %swap3A_14 = arith.constant 0 : index
    %swap3A_15 = arith.constant 0 : index
    %swap3A_16 = arith.constant 0 : index
    %swap3A_17 = vector.load %arg4[%swap3A, %swap3A_14, %swap3A_15, %swap3A_16] : memref<128x7x8x128xf32, #tpu.memory_space<vmem>>, vector<128x7x8x128xf32>
    tpu.vector_store %arg4[%swap3A, %swap3A_14, %swap3A_15, %swap3A_16], %reshape3A_13 {strides = array<i32>} : memref<128x7x8x128xf32, #tpu.memory_space<vmem>>, vector<128x7x8x128xf32>,
    return
  }
  func.func @transform_0(%arg0: i32, %arg1: i32) -> (i32, i32, i32) {
    %c0_i32 = arith.constant 0 : i32
    %c0_i32_0 = arith.constant 0 : i32
    return %c0_i32, %arg0, %arg1 : i32, i32, i32
  }
  func.func @transform_1(%arg0: i32, %arg1: i32) -> (i32, i32, i32) {
    %c0_i32 = arith.constant 0 : i32
    %c0_i32_0 = arith.constant 0 : i32
    %c0_i32_1 = arith.constant 0 : i32
    return %c0_i32, %arg0, %c0_i32_0 : i32, i32, i32
  }
  func.func @transform_2(%arg0: i32, %arg1: i32) -> (i32, i32, i32, i32) {
    %c0_i32 = arith.constant 0 : i32
    %c0_i32_0 = arith.constant 0 : i32
    %c0_i32_1 = arith.constant 0 : i32
    return %arg0, %arg1, %c0_i32, %c0_i32_0 : i32, i32, i32, i32
  }
}

module attributes {stable_mosaic.version = 14 : i64} {
  func.func @_relayout_body(%arg0: i32, %arg1: i32, %arg2: memref<128x7x8x128xf32, #tpu.memory_space<vmem>>, %arg3: memref<8x16x7168xf32, #tpu.memory_space<vmem>>) attributes {dimension_semantics = [#tpu.dimension_semantics<arbitrary>, #tpu.dimension_semantics<arbitrary>], iteration_bounds = array<i64: 4, 7>, scalar_prefetch = 0 : i64, scratch_operands = 0 : i64, tpu.core_type = #tpu.core_type<tc>, window_params = [{transform_indices = @transform_0, window_bounds = array<i64: 128, 7, 8, 128>}, {transform_indices = @transform_1, window_bounds = array<i64: 8, 16, 7168>}]} {
    %get3A = arith.constant 0 : index
    %get3A_0 = arith.constant 0 : index
    %get3A_1 = arith.constant 0 : index
    %get3A_2 = arith.constant 0 : index
    %get3A_3 = vector.load %arg2[%get3A, %get3A_0, %get3A_1, %get3A_2] : memref<128x7x8x128xf32, #tpu.memory_space<vmem>>, vector<128x7x8x128xf32>
    %reshape3A = vector.shape_cast %get3A_3 : vector<128x7x8x128xf32> to vector<8x16x7168xf32>
    %swap3A = arith.constant 0 : index
    %swap3A_4 = arith.constant 0 : index
    %swap3A_5 = arith.constant 0 : index
    %swap3A_6 = vector.load %arg3[%swap3A, %swap3A_4, %swap3A_5] : memref<8x16x7168xf32, #tpu.memory_space<vmem>>, vector<8x16x7168xf32>
    tpu.vector_store %arg3[%swap3A, %swap3A_4, %swap3A_5], %reshape3A {strides = array<i32>} : memref<8x16x7168xf32, #tpu.memory_space<vmem>>, vector<8x16x7168xf32>,
    return
  }
  func.func @transform_0(%arg0: i32, %arg1: i32) -> (i32, i32, i32, i32) {
    %c0_i32 = arith.constant 0 : i32
    %c0_i32_0 = arith.constant 0 : i32
    %c0_i32_1 = arith.constant 0 : i32
    return %arg0, %arg1, %c0_i32, %c0_i32_0 : i32, i32, i32, i32
  }
  func.func @transform_1(%arg0: i32, %arg1: i32) -> (i32, i32, i32) {
    %c0_i32 = arith.constant 0 : i32
    %c0_i32_0 = arith.constant 0 : i32
    return %arg0, %c0_i32, %arg1 : i32, i32, i32
  }
}

</mosaic_0001>

<sc_bundles>
// kernel: kernel.7.cloned.1.call-start
scs
__scs_entry_jumppad:
0x0: {  	(pc) =	sbr.rel $0x88, $3  }
0x1: {  	(tag) =	ssettag $0x0;
	lr =	simm.s32 $0x1  }
0x2: {  	[smem:$0x3F9D] =	sst lr;
	_ =	strace $0xD0000000  }
0x3: {  	_ = 	snop  }
0x4: {  	_ = 	snop  }
0x5: {  	_ = 	snop  }
0x6: {  	_ = 	snop  }
0x7: {  	_ = 	snop  }
__scs_overlays_trampoline_lowered:
0x8: {  	[smem:$0x3FAC] =	sst s0  }
0x9: {  	[smem:$0x3FAD] =	sst s1  }
0xa: {  	[smem:$0x3FAE] =	sst s2  }
0xb: {  	[smem:$0x3FAF] =	sst s3  }
0xc: {  	[smem:$0x3FB0] =	sst s4  }
0xd: {  	[smem:$0x3FB1] =	sst s5  }
0xe: {  	[smem:$0x3FB2] =	sst s6  }
0xf: {  	[smem:$0x3FB3] =	sst s7  }
0x10: {  	[smem:$0x3FB4] =	sst s8  }
0x11: {  	[smem:$0x3FB5] =	sst s9;
	s0 =	simm.s32 @!p0 $0x0  }
0x12: {  	s1 =	sld [smem:$0x3F9B];
	s0 =	simm.s32 @p0 $0x1  }
0x13: {  	[smem:$0x3FB6] =	sst s0;
	s0 =	simm.s32 @!p1 $0x0  }
0x14: {  	s2 =	sld [smem:$0x3F9A];
	s0 =	simm.s32 @p1 $0x1  }
0x15: {  	[smem:$0x3FB7] =	sst s0;
	s0 =	simm.s32 @!p2 $0x0  }
0x16: {  	s3 =	sld [smem:$0x3FDB];
	s0 =	simm.s32 @p2 $0x1  }
0x17: {  	s4 =	simm.s32 $0x1BF5;
	[smem:$0x3FB9] =	sst s0  }
0x18: {  	s0 =	sld [smem:$0x3F9C];
	_ =	swait.ge [sflag:s4], $0x0  }
0x19: {  	s7 =	sld [smem:$0x3F9D]  }
0x1a: {  	s8 =	sadd.s32 $0xFFFFE003, lr  }
0x1b: {  	s9 =	sadd.s32 $0xFFFFFEF7, lr;
	s5 =	simm.s32 $0xFFFFFFFF;
	p2 =	slt.u32 s8, $0xFFFFF086  }
0x1c: {  	p1 =	slt.u32 s9, $0xF7A;
	s5 =	simm.s32 @!p2 $0x0  }
0x1d: {  	s5 =	simm.s32 @p1 $0x1;
	p0 =	seq.s32 s7, s2  }
0x1e: {  	s7 =	smul.u32 @!p0 $0xF7A, s2;
	p2 =	seq.s32 @!p0 s5, $0x0  }
0x1f: {  	s9 =	smul.u32 $0xF7A, s1;
	s8 =	simm.s32 @!p0 $0x1BF5;
	p2 =	por !p2, p0  }
0x20: {  	[sflag:s8] =	ssyncset.s32 @!p0 $0xFFFFF086;
	s6 =	sadd.s32 @!p0 s3, s7;
	s7 =	simm.s32 @!p0 $0x108  }
0x21: {  	s3 =	sadd.s32 s3, s9;
	s6 =	sadd.s32 @!p0 $0x88, s6;
	s7 =	simm.s32 @p2 $0x1082  }
0x22: {  	[simem:s7], [sflag:s8] =	dma.local @!p0 [hbm:s6], $0xF7A  }
0x23: {  	s9 =	sor.u32 $0xD0000000, s2;
	s6 =	simm.s32 $0x108;
	_ =	swait.ge @!p0 [sflag:s8], $0x0  }
0x24: {  	s3 =	sadd.s32 $0x88, s3;
	s6 =	simm.s32 @!p1 $0x1082;
	[sflag:s4] =	ssyncset.s32 $0xFFFFF086  }
0x25: {  	[simem:s6], [sflag:s4] =	dma.local [hbm:s3], $0xF7A  }
0x26: {  	[smem:$0x3F9D] =	sst s1;
	(tag) =	ssettag s2;
	_ =	strace s9  }
0x27: {  	s1 =	sld [smem:$0x3FAD]  }
0x28: {  	s2 =	sld [smem:$0x3FAE]  }
0x29: {  	s4 =	sld [smem:$0x3FB0]  }
0x2a: {  	p0 =	seq.s32 s5, $0x0;
	s5 =	sld [smem:$0x3FB1]  }
0x2b: {  	s6 =	sld [smem:$0x3FB2]  }
0x2c: {  	s7 =	sld [smem:$0x3FB3]  }
0x2d: {  	s3 =	simm.s32 $0x108;
	s8 =	sld [smem:$0x3FB4]  }
0x2e: {  	s3 =	simm.s32 @!p0 $0x1082;
	s9 =	sld [smem:$0x3FB5]  }
0x2f: {  	lr =	sadd.s32 s0, s3;
	s0 =	sld [smem:$0x3FAC]  }
0x30: {  	s3 =	sld [smem:$0x3FAF]  }
0x31: {  	[smem:$0x3FB8] =	sst s10  }
0x32: {  	s10 =	sld [smem:$0x3FB6];
	_ =	sdelay $0x3  }
0x33: {  	p0 =	seq.s32 s10, $0x1;
	s10 =	sld [smem:$0x3FB8];
	_ =	sdelay $0x3  }
0x34: {  	[smem:$0x3FB8] =	sst s10  }
0x35: {  	s10 =	sld [smem:$0x3FB7];
	_ =	sdelay $0x3  }
0x36: {  	p1 =	seq.s32 s10, $0x1;
	s10 =	sld [smem:$0x3FB8];
	_ =	sdelay $0x3  }
0x37: {  	[smem:$0x3FB8] =	sst s10  }
0x38: {  	s10 =	sld [smem:$0x3FB9]  }
0x39: {  	_ = 	snop;
	(pc) =	sbr.ind lr, $3  }
0x3a: {  	_ = 	snop  }
0x3b: {  	_ = 	snop  }
0x3c: {  	p2 =	seq.s32 s10, $0x1;
	s10 =	sld [smem:$0x3FB8]  }
0x3d: {  	_ =	shalt  }
0x3e: {  	_ =	shalt  }
0x3f: {  	_ =	shalt  }
0x40: {  	_ =	shalt  }
0x41: {  	_ =	shalt  }
0x42: {  	_ =	shalt  }
0x43: {  	_ =	shalt  }
0x44: {  	_ =	shalt  }
0x45: {  	_ =	shalt  }
0x46: {  	_ =	shalt  }
0x47: {  	_ =	shalt  }
0x48: {  	_ =	shalt  }
0x49: {  	_ =	shalt  }
0x4a: {  	_ =	shalt  }
0x4b: {  	_ =	shalt  }
0x4c: {  	_ =	shalt  }
0x4d: {  	_ =	shalt  }
0x4e: {  	_ =	shalt  }
0x4f: {  	_ =	shalt  }
0x50: {  	_ =	shalt  }
0x51: {  	_ =	shalt  }
0x52: {  	_ =	shalt  }
0x53: {  	_ =	shalt  }
0x54: {  	_ =	shalt  }
0x55: {  	_ =	shalt  }
0x56: {  	_ =	shalt  }
0x57: {  	_ =	shalt  }
0x58: {  	_ =	shalt  }
0x59: {  	_ =	shalt  }
0x5a: {  	_ =	shalt  }
0x5b: {  	_ =	shalt  }
0x5c: {  	_ =	shalt  }
0x5d: {  	_ =	shalt  }
0x5e: {  	_ =	shalt  }
0x5f: {  	_ =	shalt  }
0x60: {  	_ =	shalt  }
0x61: {  	_ =	shalt  }
0x62: {  	_ =	shalt  }
0x63: {  	_ =	shalt  }
0x64: {  	_ =	shalt  }
0x65: {  	_ =	shalt  }
0x66: {  	_ =	shalt  }
0x67: {  	_ =	shalt  }
0x68: {  	_ =	shalt  }
0x69: {  	_ =	shalt  }
0x6a: {  	_ =	shalt  }
0x6b: {  	_ =	shalt  }
0x6c: {  	_ =	shalt  }
0x6d: {  	_ =	shalt  }
0x6e: {  	_ =	shalt  }
0x6f: {  	_ =	shalt  }
0x70: {  	_ =	shalt  }
0x71: {  	_ =	shalt  }
0x72: {  	_ =	shalt  }
0x73: {  	_ =	shalt  }
0x74: {  	_ =	shalt  }
0x75: {  	_ =	shalt  }
0x76: {  	_ =	shalt  }
0x77: {  	_ =	shalt  }
0x78: {  	_ =	shalt  }
0x79: {  	_ =	shalt  }
0x7a: {  	_ =	shalt  }
0x7b: {  	_ =	shalt  }
0x7c: {  	_ =	shalt  }
0x7d: {  	_ =	shalt  }
0x7e: {  	_ =	shalt  }
0x7f: {  	_ =	shalt  }
0x80: {  	_ =	shalt  }
0x81: {  	_ =	shalt  }
0x82: {  	_ =	shalt  }
0x83: {  	_ =	shalt  }
0x84: {  	_ =	shalt  }
0x85: {  	_ =	shalt  }
0x86: {  	_ =	shalt  }
0x87: {  	_ =	shalt  }
.Lfunc_end0:
.L_simem_size_0:
called_computation_lowered:
.L_overlay_start_0:
0x88: {  	s2 =	sld [smem:$0x3FD9]  }
0x89: {  	s3 =	sld [smem:$0x3FFE];
	_ =	sdelay $0x1  }
0x8a: {  	s1 =	srdreg.scid  }
0x8b: {  	s0 =	sand.u32 $0x1, s1  }
0x8c: {  	s17 =	sshll.u32 s0, $0xA;
	s2 =	sadd.s32 s3, s2  }
0x8d: {  	s2 =	sadd.s32 s2, s17  }
0x8e: {  	[smem:$0x3FC4] =	sst s2  }
0x8f: {  	_ = 	snop  }
0x90: {  	s2 =	sld [smem:$0x3FD0];
	(tm) =	ssettm $0x1  }
0x91: {  	s18 =	sld [smem:$0x3FFB];
	_ =	sdelay $0x3  }
0x92: {  	_ =	strace s18  }
0x93: {  	s3 =	sld [smem:$0x3FFC];
	_ =	sdelay $0x3  }
0x94: {  	_ =	strace s3  }
0x95: {  	s3 =	sld [smem:$0x3FFD];
	_ =	sdelay $0x3  }
0x96: {  	_ =	strace s3  }
0x97: {  	_ =	strace $0x8FFFFFFF  }
0x98: {  	s19 =	sld [smem:$0x3FDB];
	_ =	sdelay $0x1  }
0x99: {  	s4 =	simm.s32 $_scs_section_size  }
0x9a: {  	s5 =	simm.s32 $_size__tile_overlayer_lowered;
	s6 =	simm.s32 $_tile_overlayer_lowered  }
0x9b: {  	s22 =	simm.s32 $0x1BFF;
	s21 =	sshll.u32 s6, $0x1;
	s3 =	sadd.s32 s4, s19  }
0x9c: {  	s7 =	simm.s32 $0x0;
	s20 =	sshll.u32 s5, $0x1;
	s5 =	sadd.s32 s21, s3  }
0x9d: {  	[timem:s7], [sflag:s22] =	dma.local [hbm:s5], s20  }
0x9e: {  	_ =	swait.ge [sflag:s22], s20  }
0x9f: {  	s4 =	ssub.s32 $0x0, s20;
	[sflag:s22] =	ssyncset.done $0x0  }
0xa0: {  	[sflag:s22] =	ssyncadd.s32 s4;
	_ =	sdelay $0x1  }
0xa1: {  	s23 =	simm.s32 $0x1B8B  }
0xa2: {  	_ =	swait.ge [sflag:s23], $0x1  }
0xa3: {  	[sflag:s23] =	ssyncset.done $0x0  }
0xa4: {  	s25 =	simm.s32 $0x1B8E;
	s24 =	sld [smem:$0x3FFE];
	[sflag:s23] =	ssyncadd.s32 $0xFFFFFFFF  }
0xa5: {  	s26 =	simm.s32 $execute0_lowered;
	[smem:$0x3FD2] =	sst s25  }
0xa6: {  	s5 =	sshll.u32 s26, $0x1;
	_ =	strace $0x80000046;
	[dreg:$0x1] =	wrdreg $0xFFFFFFFF  }
0xa7: {  	s28 =	simm.s32 $_size_execute0_lowered;
	s3 =	sadd.s32 s3, s5;
	[dreg:$0x0] =	wrdreg $0x0  }
0xa8: {  	s5 =	sshll.u32 s28, $0x1;
	[dreg:$0x2] =	wrdreg s3  }
0xa9: {  	[dreg:$0x3] =	wrdreg s5  }
0xaa: {  	[dreg:$0x4] =	wrdreg $0xC0  }
0xab: {  	_ =	task [dreg:s7], $0x5FFFF  }
0xac: {  	[dreg:$0x1] =	wrdreg $0xFFFFFFFF  }
0xad: {  	[dreg:$0x0] =	wrdreg $0x60  }
0xae: {  	[dreg:$0x2] =	wrdreg s24  }
0xaf: {  	[dreg:$0x3] =	wrdreg s2  }
0xb0: {  	[dreg:$0x4] =	wrdreg $0x9  }
0xb1: {  	_ =	task.clear_ibuf [dreg:s7], $0x5FFFF;
	_ =	strace $0x90000046  }
0xb2: {  	s29 =	simm.s32 $0x9;
	_ =	strace $0x80000048  }
0xb3: {  	_ =	swait.ge [sflag:s29], $0x1  }
0xb4: {  	[sflag:s29] =	ssyncadd.s32 $0xFFFFFFFF  }
0xb5: {  	_ =	strace $0x90000048  }
0xb6: {  	_ =	sfence  }
0xb7: {  	s30 =	sld [smem:$0x0];
	_ =	sdelay $0x2  }
0xb8: {  	s31 =	sshll.u32 s1, $0xD;
	s1 =	sshrl.u32 s1, $0x2  }
0xb9: {  	s3 =	sand.u32 $0x4000, s31;
	s1 =	sadd.s32 s1, s30  }
0xba: {  	s0 =	sor.u32 s3, s0;
	s1 =	sshll.u32 s1, $0x11  }
0xbb: {  	s0 =	sor.u32 s1, s0  }
0xbc: {  	s0 =	sadd.s32 $0x8F2B, s0  }
0xbd: {  	[sflag:s0] =	ssyncadd.remote.s32 $0x1  }
0xbe: {  	_ =	sfence.sel $0xFFFF  }
0xbf: {  	[dreg:$0x0] =	wrdreg $0xFFFFFFFF;
	(pc) =	sbr.abs _section_cstart, $3  }
0xc0: {  	[dreg:$0x1] =	wrdreg $0xFFFFFFFF  }
0xc1: {  	_ =	task.clear_ibuf [dreg:s7], $0x2FFFF;
	_ =	strace $0x9FFFFFFF  }
0xc2: {  	(tm) =	ssettm $0x7FFFFFFF  }
0xc3: {  	_ =	shalt  }
tec
execute0_lowered:
.L_overlay_start_1:
0x0: {  	(tag) =	ssettag $0x1  }
0x1: {  	s4 =	rddreg [dreg:$0x0]  }
0x2: {  	s5 =	rddreg [dreg:$0x1]  }
0x3: {  	s0 =	rddreg [dreg:$0x2];
	s2 =	simm.s32 $0x0;
	s3 =	srdreg.scid  }
0x4: {  	s1 =	stileid.u32;
	s11 =	simm.s32 $0x200;
	s12 =	simm.s32 $0x600  }
0x5: {  	s13 =	simm.s32 $0x280;
	s14 =	simm.s32 $0x680;
	s15 =	simm.s32 $0x300  }
0x6: {  	s16 =	simm.s32 $0x700;
	s17 =	simm.s32 $0x380;
	s18 =	simm.s32 $0x780  }
0x7: {  	s19 =	simm.s32 $0x0;
	[smem:$0x7FF] =	sst s2;
	s6 =	sand.u32 $0x1, s3  }
0x8: {  	s7 =	sshll.u32 s1, $0x6;
	s3 =	sadd.s32 $0x1000, s4;
	s31 =	smul.u32 $0xC4000, s1  }
0x9: {  	s10 =	sshll.u32 s1, $0xA;
	_ =	strace $0x80000047;
	s8 =	sshll.u32 s6, $0xA  }
0xa: {  	s29 =	ssub.s32 $0x2, s6;
	s9 =	smul.u32 $0xC40000, s6;
	s6 =	sshll.u32 s6, $0xE  }
0xb: {  	s7 =	sor.u32 s7, s8;
	s30 =	sshrl.u32 s29, $0x1;
	s6 =	sadd.s32 s6, s5  }
0xc: {  	s8 =	simm.s32 $0x1;
	s4 =	sadd.s32 s7, s4;
	s7 =	ssub.s32 s29, s30  }
0xd: {  	s6 =	sadd.s32 s10, s6;
	s10 =	simm.s32 $0x80;
	s4 =	sadd.s32 $0x800, s4  }
0xe: {  	s5 =	smax.u32 s7, $0x1;
	s7 =	sadd.s32 s31, s9;
	s9 =	simm.s32 $0x400  }
.LBB2_1:
0xf: {  	[tilespmem:s2], [sflag:$0x1] =	stream.linear.gather [hbm4b:s4+s2], $0x200, $0x38;
	[tilespmem:$0x800] =	vst v63  }
0x10: {  	_ =	swait.ge [sflag:s8], $0x200  }
0x11: {  	[sflag:s8] =	ssyncset.done $0x0  }
0x12: {  	s20 =	smov.u32 s7;
	s21 =	simm.s32 $0x0;
	[sflag:s8] =	ssyncadd.s32 $0xFFFFFE00  }
.LBB2_2:
0x13: {  	s22 =	sadd.s32 s21, s6  }
0x14: {  	[tilespmem:s9], [sflag:$0x1] =	stream.linear.gather [hbm4b:s22+s2], $0x200, $0x38;
	[tilespmem:$0x800] =	vst v63  }
0x15: {  	_ =	swait.ge [sflag:s8], $0x200  }
0x16: {  	[sflag:s8] =	ssyncset.done $0x0  }
0x17: {  	[sflag:s8] =	ssyncadd.s32 $0xFFFFFE00  }
0x18: {  	v0 =	vld [tilespmem:$0x0]  }
0x19: {  	v1 =	vld [tilespmem:$0x10]  }
0x1a: {  	v2 =	vld [tilespmem:$0x20]  }
0x1b: {  	v3 =	vld [tilespmem:$0x30]  }
0x1c: {  	v4 =	vld [tilespmem:$0x40]  }
0x1d: {  	v5 =	vld [tilespmem:$0x50];
	v0 =	vadd.s32 s20, v0  }
0x1e: {  	v41 =	vld [tilespmem:$0x60];
	v40 =	vadd.s32 s20, v1;
	[tilespmem:$0x200] =	vst v0  }
0x1f: {  	v43 =	vld [tilespmem:$0x70];
	v42 =	vadd.s32 s20, v2;
	[tilespmem:$0x210] =	vst v40  }
0x20: {  	v45 =	vld [tilespmem:$0x80];
	v44 =	vadd.s32 s20, v3;
	[tilespmem:$0x220] =	vst v42  }
0x21: {  	v47 =	vld [tilespmem:$0x90];
	v46 =	vadd.s32 s20, v4;
	[tilespmem:$0x230] =	vst v44  }
0x22: {  	v49 =	vld [tilespmem:$0xA0];
	v48 =	vadd.s32 s20, v5;
	[tilespmem:$0x240] =	vst v46  }
0x23: {  	v51 =	vld [tilespmem:$0xB0];
	v50 =	vadd.s32 s20, v41;
	[tilespmem:$0x250] =	vst v48  }
0x24: {  	v53 =	vld [tilespmem:$0xC0];
	v52 =	vadd.s32 s20, v43;
	[tilespmem:$0x260] =	vst v50  }
0x25: {  	v55 =	vld [tilespmem:$0xD0];
	v54 =	vadd.s32 s20, v45;
	[tilespmem:$0x270] =	vst v52  }
0x26: {  	v57 =	vld [tilespmem:$0xE0];
	v56 =	vadd.s32 s20, v47;
	[tilespmem:$0x280] =	vst v54  }
0x27: {  	v59 =	vld [tilespmem:$0xF0];
	v58 =	vadd.s32 s20, v49;
	[tilespmem:$0x290] =	vst v56  }
0x28: {  	v61 =	vld [tilespmem:$0x100];
	v60 =	vadd.s32 s20, v51;
	[tilespmem:$0x2A0] =	vst v58  }
0x29: {  	v63 =	vld [tilespmem:$0x110];
	v62 =	vadd.s32 s20, v53;
	[tilespmem:$0x2B0] =	vst v60  }
0x2a: {  	v8 =	vld [tilespmem:$0x120];
	v7 =	vadd.s32 s20, v55;
	[tilespmem:$0x2C0] =	vst v62  }
0x2b: {  	v10 =	vld [tilespmem:$0x130];
	v9 =	vadd.s32 s20, v57;
	[tilespmem:$0x2D0] =	vst v7  }
0x2c: {  	v12 =	vld [tilespmem:$0x140];
	v11 =	vadd.s32 s20, v59;
	[tilespmem:$0x2E0] =	vst v9  }
0x2d: {  	v14 =	vld [tilespmem:$0x150];
	v13 =	vadd.s32 s20, v61;
	[tilespmem:$0x2F0] =	vst v11  }
0x2e: {  	v16 =	vld [tilespmem:$0x160];
	v15 =	vadd.s32 s20, v63;
	[tilespmem:$0x300] =	vst v13  }
0x2f: {  	v18 =	vld [tilespmem:$0x170];
	v17 =	vadd.s32 s20, v8;
	[tilespmem:$0x310] =	vst v15  }
0x30: {  	v20 =	vld [tilespmem:$0x180];
	v19 =	vadd.s32 s20, v10;
	[tilespmem:$0x320] =	vst v17  }
0x31: {  	v22 =	vld [tilespmem:$0x190];
	v21 =	vadd.s32 s20, v12;
	[tilespmem:$0x330] =	vst v19  }
0x32: {  	v24 =	vld [tilespmem:$0x1A0];
	v23 =	vadd.s32 s20, v14;
	[tilespmem:$0x340] =	vst v21  }
0x33: {  	v26 =	vld [tilespmem:$0x1B0];
	v25 =	vadd.s32 s20, v16;
	[tilespmem:$0x350] =	vst v23  }
0x34: {  	v28 =	vld [tilespmem:$0x1C0];
	v27 =	vadd.s32 s20, v18;
	[tilespmem:$0x360] =	vst v25  }
0x35: {  	v30 =	vld [tilespmem:$0x1D0];
	v29 =	vadd.s32 s20, v20;
	[tilespmem:$0x370] =	vst v27  }
0x36: {  	v32 =	vld [tilespmem:$0x1E0];
	v31 =	vadd.s32 s20, v22;
	[tilespmem:$0x380] =	vst v29  }
0x37: {  	v34 =	vld [tilespmem:$0x1F0];
	v33 =	vadd.s32 s20, v24;
	[tilespmem:$0x390] =	vst v31  }
0x38: {  	v35 =	vadd.s32 s20, v26;
	[tilespmem:$0x3A0] =	vst v33  }
0x39: {  	v36 =	vadd.s32 s20, v28;
	[tilespmem:$0x3B0] =	vst v35  }
0x3a: {  	v37 =	vadd.s32 s20, v30;
	[tilespmem:$0x3C0] =	vst v36  }
0x3b: {  	v38 =	vadd.s32 s20, v32;
	[tilespmem:$0x3D0] =	vst v37  }
0x3c: {  	v39 =	vadd.s32 s20, v34;
	[tilespmem:$0x3E0] =	vst v38  }
0x3d: {  	[tilespmem:$0x3F0] =	vst v39  }
0x3e: {  	[tilespmem:s12], [sflag:$0x1] =	stream.indirect.gather [hbm4b:s3+s10], $0x1, s11, s10, $0xb8;
	[tilespmem:$0x800] =	vst v63  }
0x3f: {  	_ =	swait.ge [sflag:s8], $0x80  }
0x40: {  	[sflag:s8] =	ssyncset.done $0x0  }
0x41: {  	[sflag:s8] =	ssyncadd.s32 $0xFFFFFF80  }
0x42: {  	[tilespmem:s14], [sflag:$0x1] =	stream.indirect.gather [hbm4b:s3+s10], $0x1, s13, s10, $0xb8;
	[tilespmem:$0x800] =	vst v63  }
0x43: {  	_ =	swait.ge [sflag:s8], $0x80  }
0x44: {  	[sflag:s8] =	ssyncset.done $0x0  }
0x45: {  	[sflag:s8] =	ssyncadd.s32 $0xFFFFFF80  }
0x46: {  	[tilespmem:s16], [sflag:$0x1] =	stream.indirect.gather [hbm4b:s3+s10], $0x1, s15, s10, $0xb8;
	[tilespmem:$0x800] =	vst v63  }
0x47: {  	_ =	swait.ge [sflag:s8], $0x80  }
0x48: {  	[sflag:s8] =	ssyncset.done $0x0  }
0x49: {  	[sflag:s8] =	ssyncadd.s32 $0xFFFFFF80  }
0x4a: {  	[tilespmem:s18], [sflag:$0x1] =	stream.indirect.gather [hbm4b:s3+s10], $0x1, s17, s10, $0xb8;
	[tilespmem:$0x800] =	vst v63  }
0x4b: {  	_ =	swait.ge [sflag:s8], $0x80  }
0x4c: {  	[sflag:s8] =	ssyncset.done $0x0  }
0x4d: {  	[sflag:s8] =	ssyncadd.s32 $0xFFFFFF80  }
0x4e: {  	v40 =	vld [tilespmem:$0x600]  }
0x4f: {  	v41 =	vld [tilespmem:$0x400]  }
0x50: {  	v42 =	vld [tilespmem:$0x610]  }
0x51: {  	v43 =	vld [tilespmem:$0x410]  }
0x52: {  	v44 =	vld [tilespmem:$0x620]  }
0x53: {  	v45 =	vld [tilespmem:$0x420]  }
0x54: {  	v6 =	vld [tilespmem:$0x630]  }
0x55: {  	v7 =	vld [tilespmem:$0x430]  }
0x56: {  	v8 =	vld [tilespmem:$0x640]  }
0x57: {  	v9 =	vld [tilespmem:$0x440]  }
0x58: {  	v10 =	vld [tilespmem:$0x650]  }
0x59: {  	v11 =	vld [tilespmem:$0x450]  }
0x5a: {  	v12 =	vld [tilespmem:$0x660]  }
0x5b: {  	v13 =	vld [tilespmem:$0x460]  }
0x5c: {  	v14 =	vld [tilespmem:$0x670]  }
0x5d: {  	v15 =	vld [tilespmem:$0x470]  }
0x5e: {  	v16 =	vld [tilespmem:$0x680]  }
0x5f: {  	v17 =	vld [tilespmem:$0x480]  }
0x60: {  	v18 =	vld [tilespmem:$0x690]  }
0x61: {  	v19 =	vld [tilespmem:$0x490]  }
0x62: {  	v20 =	vld [tilespmem:$0x6A0]  }
0x63: {  	v21 =	vld [tilespmem:$0x4A0]  }
0x64: {  	v22 =	vld [tilespmem:$0x6B0]  }
0x65: {  	v23 =	vld [tilespmem:$0x4B0]  }
0x66: {  	v24 =	vld [tilespmem:$0x6C0]  }
0x67: {  	v25 =	vld [tilespmem:$0x4C0]  }
0x68: {  	v26 =	vld [tilespmem:$0x6D0]  }
0x69: {  	v27 =	vld [tilespmem:$0x4D0]  }
0x6a: {  	v28 =	vld [tilespmem:$0x6E0]  }
0x6b: {  	v29 =	vld [tilespmem:$0x4E0]  }
0x6c: {  	v30 =	vld [tilespmem:$0x6F0]  }
0x6d: {  	v31 =	vld [tilespmem:$0x4F0]  }
0x6e: {  	v32 =	vld [tilespmem:$0x700]  }
0x6f: {  	v33 =	vld [tilespmem:$0x500]  }
0x70: {  	v34 =	vld [tilespmem:$0x710]  }
0x71: {  	v35 =	vld [tilespmem:$0x510]  }
0x72: {  	v36 =	vld [tilespmem:$0x720]  }
0x73: {  	v46 =	vld [tilespmem:$0x520];
	v0 =	vadd.f32 v41, v40  }
0x74: {  	v47 =	vld [tilespmem:$0x730];
	v2 =	vadd.f32 v43, v42  }
0x75: {  	v49 =	vld [tilespmem:$0x530];
	v48 =	vadd.f32 v45, v44;
	[tilespmem:$0x600] =	vst v0  }
0x76: {  	v51 =	vld [tilespmem:$0x740];
	v50 =	vadd.f32 v7, v6;
	[tilespmem:$0x610] =	vst v2  }
0x77: {  	v53 =	vld [tilespmem:$0x540];
	v52 =	vadd.f32 v9, v8;
	[tilespmem:$0x620] =	vst v48  }
0x78: {  	v55 =	vld [tilespmem:$0x750];
	v54 =	vadd.f32 v11, v10;
	[tilespmem:$0x630] =	vst v50  }
0x79: {  	v57 =	vld [tilespmem:$0x550];
	v56 =	vadd.f32 v13, v12;
	[tilespmem:$0x640] =	vst v52  }
0x7a: {  	v59 =	vld [tilespmem:$0x760];
	v58 =	vadd.f32 v15, v14;
	[tilespmem:$0x650] =	vst v54  }
0x7b: {  	v61 =	vld [tilespmem:$0x560];
	v60 =	vadd.f32 v17, v16;
	[tilespmem:$0x660] =	vst v56  }
0x7c: {  	v63 =	vld [tilespmem:$0x770];
	v62 =	vadd.f32 v19, v18;
	[tilespmem:$0x670] =	vst v58  }
0x7d: {  	v37 =	vld [tilespmem:$0x7A0];
	v20 =	vadd.f32 v21, v20;
	[tilespmem:$0x680] =	vst v60  }
0x7e: {  	v39 =	vld [tilespmem:$0x5A0];
	v22 =	vadd.f32 v23, v22;
	[tilespmem:$0x690] =	vst v62  }
0x7f: {  	v21 =	vld [tilespmem:$0x570];
	v24 =	vadd.f32 v25, v24;
	[tilespmem:$0x6A0] =	vst v20  }
0x80: {  	v23 =	vld [tilespmem:$0x780];
	v26 =	vadd.f32 v27, v26;
	[tilespmem:$0x6B0] =	vst v22  }
0x81: {  	v25 =	vld [tilespmem:$0x580];
	v28 =	vadd.f32 v29, v28;
	[tilespmem:$0x6C0] =	vst v24  }
0x82: {  	v27 =	vld [tilespmem:$0x790];
	v31 =	vadd.f32 v31, v30;
	[tilespmem:$0x6D0] =	vst v26  }
0x83: {  	v29 =	vld [tilespmem:$0x590];
	v38 =	vadd.f32 v33, v32;
	[tilespmem:$0x6E0] =	vst v28  }
0x84: {  	v40 =	vadd.f32 v35, v34;
	v41 =	vld [tilespmem:$0x7B0];
	[tilespmem:$0x6F0] =	vst v31  }
0x85: {  	v42 =	vadd.f32 v46, v36;
	v43 =	vld [tilespmem:$0x5B0];
	[tilespmem:$0x700] =	vst v38  }
0x86: {  	v44 =	vadd.f32 v49, v47;
	v45 =	vld [tilespmem:$0x7C0];
	[tilespmem:$0x710] =	vst v40  }
0x87: {  	v46 =	vadd.f32 v53, v51;
	v47 =	vld [tilespmem:$0x5C0];
	[tilespmem:$0x720] =	vst v42  }
0x88: {  	v49 =	vld [tilespmem:$0x7D0];
	[tilespmem:$0x730] =	vst v44;
	v48 =	vadd.f32 v57, v55  }
0x89: {  	v51 =	vld [tilespmem:$0x5D0];
	[tilespmem:$0x740] =	vst v46;
	v50 =	vadd.f32 v61, v59  }
0x8a: {  	v53 =	vld [tilespmem:$0x7E0];
	v58 =	vadd.f32 v39, v37;
	[tilespmem:$0x750] =	vst v48  }
0x8b: {  	v55 =	vld [tilespmem:$0x5E0];
	[tilespmem:$0x760] =	vst v50;
	v52 =	vadd.f32 v21, v63  }
0x8c: {  	v57 =	vld [tilespmem:$0x7F0];
	[tilespmem:$0x7A0] =	vst v58;
	v54 =	vadd.f32 v25, v23  }
0x8d: {  	v59 =	vld [tilespmem:$0x5F0];
	v56 =	vadd.f32 v29, v27;
	[tilespmem:$0x770] =	vst v52  }
0x8e: {  	v1 =	vadd.f32 v43, v41;
	[tilespmem:$0x780] =	vst v54  }
0x8f: {  	v60 =	vadd.f32 v47, v45;
	[tilespmem:$0x790] =	vst v56  }
0x90: {  	v61 =	vadd.f32 v51, v49;
	[tilespmem:$0x7B0] =	vst v1  }
0x91: {  	[tilespmem:$0x7C0] =	vst v60;
	v62 =	vadd.f32 v55, v53  }
0x92: {  	[tilespmem:$0x7D0] =	vst v61;
	v63 =	vadd.f32 v59, v57  }
0x93: {  	[tilespmem:$0x7E0] =	vst v62  }
0x94: {  	[tilespmem:$0x7F0] =	vst v63  }
0x95: {  	[hbm4b:s3+s10] =	stream.indirect.scatter [tilespmem:s12], [sflag:$0x1], $0x1, s11, s10, $0xb8;
	[tilespmem:$0x800] =	vst v63  }
0x96: {  	_ =	swait.ge [sflag:s8], $0x80  }
0x97: {  	[sflag:s8] =	ssyncset.done $0x0  }
0x98: {  	[sflag:s8] =	ssyncadd.s32 $0xFFFFFF80  }
0x99: {  	[hbm4b:s3+s10] =	stream.indirect.scatter [tilespmem:s14], [sflag:$0x1], $0x1, s13, s10, $0xb8;
	[tilespmem:$0x800] =	vst v63  }
0x9a: {  	_ =	swait.ge [sflag:s8], $0x80  }
0x9b: {  	[sflag:s8] =	ssyncset.done $0x0  }
0x9c: {  	[sflag:s8] =	ssyncadd.s32 $0xFFFFFF80  }
0x9d: {  	[hbm4b:s3+s10] =	stream.indirect.scatter [tilespmem:s16], [sflag:$0x1], $0x1, s15, s10, $0xb8;
	[tilespmem:$0x800] =	vst v63  }
0x9e: {  	_ =	swait.ge [sflag:s8], $0x80  }
0x9f: {  	p0 =	sne.s32 s21, $0x3C0;
	[sflag:s8] =	ssyncset.done $0x0  }
.Ltmp0:
0xa0: {  	[sflag:s8] =	ssyncadd.s32 $0xFFFFFF80;
	(pc) =	sbr.rel @p0 .LBB2_2-.Ltmp0, $4  }
0xa1: {  	[hbm4b:s3+s10] =	stream.indirect.scatter [tilespmem:s18], [sflag:$0x1], $0x1, s17, s10, $0xb8;
	[tilespmem:$0x800] =	vst v63  }
0xa2: {  	_ =	swait.ge [sflag:s8], $0x80  }
0xa3: {  	[sflag:s8] =	ssyncset.done $0x0  }
0xa4: {  	s21 =	sadd.s32 $0x40, s21;
	s20 =	sadd.s32 $0xC400, s20;
	[sflag:s8] =	ssyncadd.s32 $0xFFFFFF80  }
0xa5: {  	s19 =	sadd.s32 $0x1, s19  }
0xa6: {  	p0 =	sne.s32 s19, s5  }
.Ltmp1:
0xa7: {  	_ = 	snop;
	(pc) =	sbr.rel @p0 .LBB2_1-.Ltmp1, $1  }
0xa8: {  	_ =	sdelay $0x3  }
0xa9: {  	_ =	sfence.sel $0x180000  }
0xaa: {  	[bflag:$0x0] =	sbarrier.arrive $0xFFFF  }
0xab: {  	p0 =	sne.s32 s1, $0x0;
	_ =	strace $0x90000047  }
0xac: {  	s0 =	sadd.s32 @!p0 $0x100000, s0;
	[bflag:$0x2] =	sbarrier.arrive $0xFFFF  }
0xad: {  	[sflag:s0] =	ssyncadd.tile.s32 @!p0 $0x1;
	_ =	shalt  }
.Lfunc_end2:
_tile_overlayer_lowered:
.L_overlay_start_2:
0xae: {  	(tag) =	ssettag $0x2  }
0xaf: {  	s0 =	rddreg [dreg:$0x0];
	s2 =	stileid.u32  }
0xb0: {  	s1 =	rddreg [dreg:$0x1];
	p0 =	sne.s32 s2, $0x0  }
0xb1: {  	s3 =	rddreg [dreg:$0x2];
	[bflag:$0x3] =	sbarrier.arrive $0xFFFF;
	s2 =	simm.s32 @!p0 $0x1C01  }
0xb2: {  	[timem:s3], [sflag:s2] =	dma.local @!p0 [hbm:s0], s1  }
0xb3: {  	s0 =	simm.s32 @!p0 $0x1  }
0xb4: {  	_ =	swait.ge @!p0 [sflag:s0], s1  }
0xb5: {  	s1 =	ssub.s32 @!p0 $0x0, s1;
	[sflag:s0] =	ssyncset.done @!p0 $0x0  }
0xb6: {  	[sflag:s0] =	ssyncadd.s32 @!p0 s1  }
0xb7: {  	[bflag:$0x3] =	sbarrier.arrive $0xFFFF  }
0xb8: {  	_ =	shalt  }

</sc_bundles>
